<compile_context>
chip_gen: v7x
topology: tpu7x:2x2x1
jax: 0.10.2.dev20260603
libtpu: 0.0.44.dev20260713+nightly
codegen_flags: <defaults>
</compile_context>

<pallas_src>
import functools

import jax
import jax.numpy as jnp
from jax import lax
from jax.experimental import pallas as pl
from jax.experimental.pallas import tpu as pltpu
from jax.experimental.pallas import tpu_sc as plsc

N = 10000
E = 160000
D = 256

NC = 2
NS = 16
HALF = N // NC
RPAD = 5120
DUMMY = HALF
EPT = E // NS
ECH = 400
G = 32
CPAD = 10240
ZR = RPAD // NS


def _sc_agg_body(compute_deg, h_hbm, src_hbm, dst_hbm, zrow_hbm, zdeg_hbm,
                 agg_out, deg_out, agg_sh, deg_sh, ebs, ebd, src_c, ldst_c,
                 stag, ones_b, sem):
    c = lax.axis_index("c")
    s = lax.axis_index("s")
    lo = c * HALF

    pltpu.sync_copy(zrow_hbm, agg_sh.at[pl.ds(s * ZR, ZR)])
    if compute_deg:
        pltpu.sync_copy(zdeg_hbm, deg_sh.at[pl.ds(s * ZR, ZR)])
        ones16 = jnp.ones((16,), jnp.float32)
        for i in range(G):
            ones_b[i, :] = ones16

    pad0 = jnp.zeros((16,), jnp.int32)
    padd = jnp.full((16,), DUMMY, jnp.int32)

    def fpad(i, carry):
        src_c[pl.ds(i * 16, 16)] = pad0
        ldst_c[pl.ds(i * 16, 16)] = padd
        return carry

    lax.fori_loop(0, CPAD // 16, fpad, 0)

    def fchunk(k, cnt):
        eoff = s * EPT + k * ECH
        pltpu.sync_copy(src_hbm.at[pl.ds(eoff, ECH)], ebs)
        pltpu.sync_copy(dst_hbm.at[pl.ds(eoff, ECH)], ebd)

        def fcomp(i, cnt):
            sv = ebs[pl.ds(i * 16, 16)]
            dv = ebd[pl.ds(i * 16, 16)]
            dl = dv - lo
            m = (dl >= 0) & (dl < HALF)
            mi = m.astype(jnp.int32)
            pos = cnt + plsc.cumsum(mi) - 1
            plsc.store_scatter(src_c, [pos], sv, mask=m)
            plsc.store_scatter(ldst_c, [pos], dl, mask=m)
            return cnt + jnp.sum(mi)

        return lax.fori_loop(0, ECH // 16, fcomp, cnt)

    cnt = lax.fori_loop(0, EPT // ECH, fchunk, jnp.int32(0))

    plsc.subcore_barrier()

    nchunks = (cnt + (G - 1)) // G

    def gbody(g, carry):
        iv_src = src_c.at[pl.ds(g * G, G)]
        iv_dst = ldst_c.at[pl.ds(g * G, G)]
        pltpu.async_copy(h_hbm.at[iv_src], stag, sem).wait()
        pltpu.sync_copy(stag, agg_sh.at[iv_dst], add=True)
        if compute_deg:
            pltpu.sync_copy(ones_b, deg_sh.at[iv_dst], add=True)
        return carry

    lax.fori_loop(0, nchunks, gbody, 0)

    plsc.subcore_barrier()

    @pl.when(s < 5)
    def _():
        r = s * 1000
        pltpu.sync_copy(agg_sh.at[pl.ds(r, 1000)],
                        agg_out.at[pl.ds(c * HALF + r, 1000)])
        if compute_deg:
            pltpu.sync_copy(deg_sh.at[pl.ds(r, 1000)],
                            deg_out.at[pl.ds(c * HALF + r, 1000)])


def _make_sc_agg(compute_deg):
    out_type = [jax.ShapeDtypeStruct((N, D), jnp.float32)]
    if compute_deg:
        out_type.append(jax.ShapeDtypeStruct((N, 16), jnp.float32))
    scratch = [
        pltpu.VMEM_SHARED((RPAD, D), jnp.float32),
        pltpu.VMEM_SHARED((RPAD, 16), jnp.float32),
        pltpu.VMEM((ECH,), jnp.int32),
        pltpu.VMEM((ECH,), jnp.int32),
        pltpu.VMEM((CPAD,), jnp.int32),
        pltpu.VMEM((CPAD,), jnp.int32),
        pltpu.VMEM((G, D), jnp.float32),
        pltpu.VMEM((G, 16), jnp.float32),
        pltpu.SemaphoreType.DMA,
    ]
    mesh = plsc.VectorSubcoreMesh(core_axis_name="c", subcore_axis_name="s")

    if compute_deg:
        def body(h, src, dst, zr, zd, agg_o, deg_o, agg_sh, deg_sh, ebs, ebd,
                 src_c, ldst_c, stag, ones_b, sem):
            _sc_agg_body(True, h, src, dst, zr, zd, agg_o, deg_o, agg_sh,
                         deg_sh, ebs, ebd, src_c, ldst_c, stag, ones_b, sem)
    else:
        def body(h, src, dst, zr, zd, agg_o, agg_sh, deg_sh, ebs, ebd,
                 src_c, ldst_c, stag, ones_b, sem):
            _sc_agg_body(False, h, src, dst, zr, zd, agg_o, None, agg_sh,
                         deg_sh, ebs, ebd, src_c, ldst_c, stag, ones_b, sem)

    return pl.kernel(
        body, out_type=tuple(out_type), mesh=mesh, scratch_types=scratch,
        compiler_params=pltpu.CompilerParams(needs_layout_passes=False,
                                             use_tc_tiling_on_sc=False))


_sc_agg_deg = _make_sc_agg(True)
_sc_agg = _make_sc_agg(False)


def _tc_body(relu, has_res, agg_ref, deg_ref, h_ref, wl_ref, wr_ref, b_ref,
             *rest):
    if has_res:
        res_ref, o_ref = rest
    else:
        (o_ref,) = rest
    inv = 1.0 / jnp.maximum(deg_ref[:, 0:1], 1.0)
    mean = agg_ref[:, :] * inv
    acc = jnp.dot(mean, wl_ref[:, :], preferred_element_type=jnp.float32)
    acc = acc + jnp.dot(h_ref[:, :], wr_ref[:, :],
                        preferred_element_type=jnp.float32)
    acc = acc + b_ref[:, :]
    if relu:
        acc = jnp.maximum(acc, 0.0)
    if has_res:
        acc = acc + res_ref[:, :]
    o_ref[:, :] = acc


def _make_tc_combine(relu, has_res):
    BR = 1000
    row = pl.BlockSpec((BR, D), lambda i: (i, 0))
    in_specs = [
        row,
        pl.BlockSpec((BR, 16), lambda i: (i, 0)),
        row,
        pl.BlockSpec((D, D), lambda i: (0, 0)),
        pl.BlockSpec((D, D), lambda i: (0, 0)),
        pl.BlockSpec((1, D), lambda i: (0, 0)),
    ]
    if has_res:
        in_specs.append(row)
    return pl.pallas_call(
        functools.partial(_tc_body, relu, has_res),
        grid=(N // BR,),
        in_specs=in_specs,
        out_specs=row,
        out_shape=jax.ShapeDtypeStruct((N, D), jnp.float32),
    )


_tc_layer1 = _make_tc_combine(relu=True, has_res=False)
_tc_layer2 = _make_tc_combine(relu=False, has_res=True)


def kernel(x, edge_index, W1_l, b1_l, W1_r, W2_l, b2_l, W2_r):
    src = edge_index[0]
    dst = edge_index[1]
    zrow = jnp.zeros((ZR, D), jnp.float32)
    zdeg = jnp.zeros((ZR, 16), jnp.float32)

    agg1, degpad = _sc_agg_deg(x, src, dst, zrow, zdeg)
    out1 = _tc_layer1(agg1, degpad, x, W1_l.T, W1_r.T, b1_l.reshape(1, D))
    (agg2,) = _sc_agg(out1, src, dst, zrow, zdeg)
    out2 = _tc_layer2(agg2, degpad, out1, W2_l.T, W2_r.T,
                      b2_l.reshape(1, D), x)
    return out2

# --- scband reference (transcript-rebuilt; emitter-appended) ---
"""Pipeline reference for scband-graph-residual-block-79937931313501 (READ-ONLY COPY).

The authoritative reference and input builder live on the scoring server;
editing this copy changes nothing except your own understanding.
"""

import jax, jax.numpy as jnp
import numpy as np

N = 10000
E = 160000
D = 256


def setup_inputs(seed: int = 0) -> dict:
    key = jax.random.key(seed)
    ks = jax.random.split(key, 8)
    x = jax.random.normal(ks[0], (N, D), dtype=jnp.float32)
    edge_index = jax.random.randint(ks[1], (2, E), 0, N, dtype=jnp.int32)
    s = 1.0 / np.sqrt(D)
    W1_l = jax.random.normal(ks[2], (D, D), dtype=jnp.float32) * s
    b1_l = jnp.zeros((D,), dtype=jnp.float32)
    W1_r = jax.random.normal(ks[3], (D, D), dtype=jnp.float32) * s
    W2_l = jax.random.normal(ks[4], (D, D), dtype=jnp.float32) * s
    b2_l = jnp.zeros((D,), dtype=jnp.float32)
    W2_r = jax.random.normal(ks[5], (D, D), dtype=jnp.float32) * s
    return {"x": x, "edge_index": edge_index, "W1_l": W1_l, "b1_l": b1_l,
            "W1_r": W1_r, "W2_l": W2_l, "b2_l": b2_l, "W2_r": W2_r}


def _sage_conv(h, edge_index, Wl, bl, Wr):
    # PyG SAGEConv (aggr='mean', root_weight=True):
    #   out = lin_l(mean_{j in N(i)} x_j) + lin_r(x_i)
    src = edge_index[0]
    dst = edge_index[1]
    msgs = jnp.take(h, src, axis=0)  # gather source node features per edge
    agg = jax.ops.segment_sum(msgs, dst, num_segments=N)  # scatter-add to dst
    deg = jax.ops.segment_sum(jnp.ones((edge_index.shape[1],), dtype=h.dtype),
                              dst, num_segments=N)
    mean = agg / jnp.clip(deg, 1.0)[:, None]
    return mean @ Wl.T + bl + h @ Wr.T


def reference(x, edge_index, W1_l, b1_l, W1_r, W2_l, b2_l, W2_r):
    # norm = Identity (use_batch_norm=False); shortcut = Identity (in==out)
    residual = x
    out = _sage_conv(x, edge_index, W1_l, b1_l, W1_r)
    out = jax.nn.relu(out)
    out = _sage_conv(out, edge_index, W2_l, b2_l, W2_r)
    out = out + residual
    return out

if __name__ == "__main__":
    import jax
    _d = setup_inputs()
    print(jax.jit(kernel)(*tuple(_d.values())))

</pallas_src>

<mosaic_0001>
#map = affine_map<(d0, d1) -> (0, 0)>
#map1 = affine_map<(d0, d1) -> (0)>
module attributes {stable_mosaic.version = 14 : i64} {
  func.func @body(%arg0: i32, %arg1: i32, %arg2: memref<10000x256xf32, #tpu.memory_space<hbm>>, %arg3: memref<160000xi32, #tpu.memory_space<hbm>>, %arg4: memref<160000xi32, #tpu.memory_space<hbm>>, %arg5: memref<320x256xf32, #tpu.memory_space<hbm>>, %arg6: memref<320x16xf32, #tpu.memory_space<hbm>>, %arg7: memref<10000x256xf32, #tpu.memory_space<hbm>>, %arg8: memref<10000x16xf32, #tpu.memory_space<hbm>>, %arg9: memref<5120x256xf32, #tpu.memory_space<vmem_shared>>, %arg10: memref<5120x16xf32, #tpu.memory_space<vmem_shared>>, %arg11: memref<400xi32, #tpu.memory_space<vmem>>, %arg12: memref<400xi32, #tpu.memory_space<vmem>>, %arg13: memref<10240xi32, #tpu.memory_space<vmem>>, %arg14: memref<10240xi32, #tpu.memory_space<vmem>>, %arg15: memref<32x256xf32, #tpu.memory_space<vmem>>, %arg16: memref<32x16xf32, #tpu.memory_space<vmem>>, %arg17: memref<!tpu.dma_semaphore, #tpu.memory_space<semaphore_mem>>) attributes {dimension_semantics = [#tpu.dimension_semantics<core_parallel>, #tpu.dimension_semantics<subcore_parallel>], iteration_bounds = array<i64: 2, 16>, scalar_prefetch = 0 : i64, scratch_operands = 9 : i64, tpu.core_type = #tpu.core_type<sc_vector_subcore>, window_params = [{transform_indices = #map}, {transform_indices = #map1}, {transform_indices = #map1}, {transform_indices = #map}, {transform_indices = #map}, {transform_indices = #map}, {transform_indices = #map}]} {
    %mul3A = arith.constant 5000 : i32
    %mul3A_0 = arith.muli %arg0, %mul3A : i32
    %mul3A_1 = arith.constant 320 : i32
    %mul3A_2 = arith.muli %arg1, %mul3A_1 : i32
    "tpu.region"() ({
      %run_scoped3A = tpu.sem_alloc : memref<!tpu.dma_semaphore, #tpu.memory_space<semaphore_mem>>
      %dma_start3A = arith.constant 0 : i32
      %dma_start3A_178 = tpu.memref_slice %arg9[%mul3A_2, %dma_start3A] : memref<5120x256xf32, #tpu.memory_space<vmem_shared>> -> memref<320x256xf32, #tpu.memory_space<vmem_shared>>
      tpu.enqueue_dma source(%arg5 : memref<320x256xf32, #tpu.memory_space<hbm>>) target(%dma_start3A_178 : memref<320x256xf32, #tpu.memory_space<vmem_shared>>) target_semaphore(%run_scoped3A : memref<!tpu.dma_semaphore, #tpu.memory_space<semaphore_mem>>)
      %dma_wait3A = arith.constant 0 : i32
      %dma_wait3A_179 = tpu.memref_slice %arg9[%mul3A_2, %dma_wait3A] : memref<5120x256xf32, #tpu.memory_space<vmem_shared>> -> memref<320x256xf32, #tpu.memory_space<vmem_shared>>
      tpu.wait_dma2 semaphore(%run_scoped3A : memref<!tpu.dma_semaphore, #tpu.memory_space<semaphore_mem>>) src(%arg5 : memref<320x256xf32, #tpu.memory_space<hbm>>) dst(%dma_wait3A_179 : memref<320x256xf32, #tpu.memory_space<vmem_shared>>)
      tpu.yield
    }) : () -> ()
    %mul3A_3 = arith.constant 320 : i32
    %mul3A_4 = arith.muli %arg1, %mul3A_3 : i32
    "tpu.region"() ({
      %run_scoped3A = tpu.sem_alloc : memref<!tpu.dma_semaphore, #tpu.memory_space<semaphore_mem>>
      %dma_start3A = arith.constant 0 : i32
      %dma_start3A_178 = tpu.memref_slice %arg10[%mul3A_4, %dma_start3A] : memref<5120x16xf32, #tpu.memory_space<vmem_shared>> -> memref<320x16xf32, #tpu.memory_space<vmem_shared>>
      tpu.enqueue_dma source(%arg6 : memref<320x16xf32, #tpu.memory_space<hbm>>) target(%dma_start3A_178 : memref<320x16xf32, #tpu.memory_space<vmem_shared>>) target_semaphore(%run_scoped3A : memref<!tpu.dma_semaphore, #tpu.memory_space<semaphore_mem>>)
      %dma_wait3A = arith.constant 0 : i32
      %dma_wait3A_179 = tpu.memref_slice %arg10[%mul3A_4, %dma_wait3A] : memref<5120x16xf32, #tpu.memory_space<vmem_shared>> -> memref<320x16xf32, #tpu.memory_space<vmem_shared>>
      tpu.wait_dma2 semaphore(%run_scoped3A : memref<!tpu.dma_semaphore, #tpu.memory_space<semaphore_mem>>) src(%arg6 : memref<320x16xf32, #tpu.memory_space<hbm>>) dst(%dma_wait3A_179 : memref<320x16xf32, #tpu.memory_space<vmem_shared>>)
      tpu.yield
    }) : () -> ()
    %broadcast_in_dim3A = arith.constant 1.000000e+00 : f32
    %broadcast_in_dim3A_5 = vector.broadcast %broadcast_in_dim3A : f32 to vector<16xf32>
    %swap3A = arith.constant 0 : i32
    %swap3A_6 = arith.index_cast %swap3A : i32 to index
    %swap3A_7 = arith.constant 0 : index
    %swap3A_8 = tpu.vector_load %arg16[%swap3A_6, %swap3A_7] {strides = array<i32>} : memref<32x16xf32, #tpu.memory_space<vmem>>, vector<16xf32>,
    tpu.vector_store %arg16[%swap3A_6, %swap3A_7], %broadcast_in_dim3A_5 {strides = array<i32>} : memref<32x16xf32, #tpu.memory_space<vmem>>, vector<16xf32>,
    %swap3A_9 = arith.constant 1 : i32
    %swap3A_10 = arith.index_cast %swap3A_9 : i32 to index
    %swap3A_11 = arith.constant 0 : index
    %swap3A_12 = tpu.vector_load %arg16[%swap3A_10, %swap3A_11] {strides = array<i32>} : memref<32x16xf32, #tpu.memory_space<vmem>>, vector<16xf32>,
    tpu.vector_store %arg16[%swap3A_10, %swap3A_11], %broadcast_in_dim3A_5 {strides = array<i32>} : memref<32x16xf32, #tpu.memory_space<vmem>>, vector<16xf32>,
    %swap3A_13 = arith.constant 2 : i32
    %swap3A_14 = arith.index_cast %swap3A_13 : i32 to index
    %swap3A_15 = arith.constant 0 : index
    %swap3A_16 = tpu.vector_load %arg16[%swap3A_14, %swap3A_15] {strides = array<i32>} : memref<32x16xf32, #tpu.memory_space<vmem>>, vector<16xf32>,
    tpu.vector_store %arg16[%swap3A_14, %swap3A_15], %broadcast_in_dim3A_5 {strides = array<i32>} : memref<32x16xf32, #tpu.memory_space<vmem>>, vector<16xf32>,
    %swap3A_17 = arith.constant 3 : i32
    %swap3A_18 = arith.index_cast %swap3A_17 : i32 to index
    %swap3A_19 = arith.constant 0 : index
    %swap3A_20 = tpu.vector_load %arg16[%swap3A_18, %swap3A_19] {strides = array<i32>} : memref<32x16xf32, #tpu.memory_space<vmem>>, vector<16xf32>,
    tpu.vector_store %arg16[%swap3A_18, %swap3A_19], %broadcast_in_dim3A_5 {strides = array<i32>} : memref<32x16xf32, #tpu.memory_space<vmem>>, vector<16xf32>,
    %swap3A_21 = arith.constant 4 : i32
    %swap3A_22 = arith.index_cast %swap3A_21 : i32 to index
    %swap3A_23 = arith.constant 0 : index
    %swap3A_24 = tpu.vector_load %arg16[%swap3A_22, %swap3A_23] {strides = array<i32>} : memref<32x16xf32, #tpu.memory_space<vmem>>, vector<16xf32>,
    tpu.vector_store %arg16[%swap3A_22, %swap3A_23], %broadcast_in_dim3A_5 {strides = array<i32>} : memref<32x16xf32, #tpu.memory_space<vmem>>, vector<16xf32>,
    %swap3A_25 = arith.constant 5 : i32
    %swap3A_26 = arith.index_cast %swap3A_25 : i32 to index
    %swap3A_27 = arith.constant 0 : index
    %swap3A_28 = tpu.vector_load %arg16[%swap3A_26, %swap3A_27] {strides = array<i32>} : memref<32x16xf32, #tpu.memory_space<vmem>>, vector<16xf32>,
    tpu.vector_store %arg16[%swap3A_26, %swap3A_27], %broadcast_in_dim3A_5 {strides = array<i32>} : memref<32x16xf32, #tpu.memory_space<vmem>>, vector<16xf32>,
    %swap3A_29 = arith.constant 6 : i32
    %swap3A_30 = arith.index_cast %swap3A_29 : i32 to index
    %swap3A_31 = arith.constant 0 : index
    %swap3A_32 = tpu.vector_load %arg16[%swap3A_30, %swap3A_31] {strides = array<i32>} : memref<32x16xf32, #tpu.memory_space<vmem>>, vector<16xf32>,
    tpu.vector_store %arg16[%swap3A_30, %swap3A_31], %broadcast_in_dim3A_5 {strides = array<i32>} : memref<32x16xf32, #tpu.memory_space<vmem>>, vector<16xf32>,
    %swap3A_33 = arith.constant 7 : i32
    %swap3A_34 = arith.index_cast %swap3A_33 : i32 to index
    %swap3A_35 = arith.constant 0 : index
    %swap3A_36 = tpu.vector_load %arg16[%swap3A_34, %swap3A_35] {strides = array<i32>} : memref<32x16xf32, #tpu.memory_space<vmem>>, vector<16xf32>,
    tpu.vector_store %arg16[%swap3A_34, %swap3A_35], %broadcast_in_dim3A_5 {strides = array<i32>} : memref<32x16xf32, #tpu.memory_space<vmem>>, vector<16xf32>,
    %swap3A_37 = arith.constant 8 : i32
    %swap3A_38 = arith.index_cast %swap3A_37 : i32 to index
    %swap3A_39 = arith.constant 0 : index
    %swap3A_40 = tpu.vector_load %arg16[%swap3A_38, %swap3A_39] {strides = array<i32>} : memref<32x16xf32, #tpu.memory_space<vmem>>, vector<16xf32>,
    tpu.vector_store %arg16[%swap3A_38, %swap3A_39], %broadcast_in_dim3A_5 {strides = array<i32>} : memref<32x16xf32, #tpu.memory_space<vmem>>, vector<16xf32>,
    %swap3A_41 = arith.constant 9 : i32
    %swap3A_42 = arith.index_cast %swap3A_41 : i32 to index
    %swap3A_43 = arith.constant 0 : index
    %swap3A_44 = tpu.vector_load %arg16[%swap3A_42, %swap3A_43] {strides = array<i32>} : memref<32x16xf32, #tpu.memory_space<vmem>>, vector<16xf32>,
    tpu.vector_store %arg16[%swap3A_42, %swap3A_43], %broadcast_in_dim3A_5 {strides = array<i32>} : memref<32x16xf32, #tpu.memory_space<vmem>>, vector<16xf32>,
    %swap3A_45 = arith.constant 10 : i32
    %swap3A_46 = arith.index_cast %swap3A_45 : i32 to index
    %swap3A_47 = arith.constant 0 : index
    %swap3A_48 = tpu.vector_load %arg16[%swap3A_46, %swap3A_47] {strides = array<i32>} : memref<32x16xf32, #tpu.memory_space<vmem>>, vector<16xf32>,
    tpu.vector_store %arg16[%swap3A_46, %swap3A_47], %broadcast_in_dim3A_5 {strides = array<i32>} : memref<32x16xf32, #tpu.memory_space<vmem>>, vector<16xf32>,
    %swap3A_49 = arith.constant 11 : i32
    %swap3A_50 = arith.index_cast %swap3A_49 : i32 to index
    %swap3A_51 = arith.constant 0 : index
    %swap3A_52 = tpu.vector_load %arg16[%swap3A_50, %swap3A_51] {strides = array<i32>} : memref<32x16xf32, #tpu.memory_space<vmem>>, vector<16xf32>,
    tpu.vector_store %arg16[%swap3A_50, %swap3A_51], %broadcast_in_dim3A_5 {strides = array<i32>} : memref<32x16xf32, #tpu.memory_space<vmem>>, vector<16xf32>,
    %swap3A_53 = arith.constant 12 : i32
    %swap3A_54 = arith.index_cast %swap3A_53 : i32 to index
    %swap3A_55 = arith.constant 0 : index
    %swap3A_56 = tpu.vector_load %arg16[%swap3A_54, %swap3A_55] {strides = array<i32>} : memref<32x16xf32, #tpu.memory_space<vmem>>, vector<16xf32>,
    tpu.vector_store %arg16[%swap3A_54, %swap3A_55], %broadcast_in_dim3A_5 {strides = array<i32>} : memref<32x16xf32, #tpu.memory_space<vmem>>, vector<16xf32>,
    %swap3A_57 = arith.constant 13 : i32
    %swap3A_58 = arith.index_cast %swap3A_57 : i32 to index
    %swap3A_59 = arith.constant 0 : index
    %swap3A_60 = tpu.vector_load %arg16[%swap3A_58, %swap3A_59] {strides = array<i32>} : memref<32x16xf32, #tpu.memory_space<vmem>>, vector<16xf32>,
    tpu.vector_store %arg16[%swap3A_58, %swap3A_59], %broadcast_in_dim3A_5 {strides = array<i32>} : memref<32x16xf32, #tpu.memory_space<vmem>>, vector<16xf32>,
    %swap3A_61 = arith.constant 14 : i32
    %swap3A_62 = arith.index_cast %swap3A_61 : i32 to index
    %swap3A_63 = arith.constant 0 : index
    %swap3A_64 = tpu.vector_load %arg16[%swap3A_62, %swap3A_63] {strides = array<i32>} : memref<32x16xf32, #tpu.memory_space<vmem>>, vector<16xf32>,
    tpu.vector_store %arg16[%swap3A_62, %swap3A_63], %broadcast_in_dim3A_5 {strides = array<i32>} : memref<32x16xf32, #tpu.memory_space<vmem>>, vector<16xf32>,
    %swap3A_65 = arith.constant 15 : i32
    %swap3A_66 = arith.index_cast %swap3A_65 : i32 to index
    %swap3A_67 = arith.constant 0 : index
    %swap3A_68 = tpu.vector_load %arg16[%swap3A_66, %swap3A_67] {strides = array<i32>} : memref<32x16xf32, #tpu.memory_space<vmem>>, vector<16xf32>,
    tpu.vector_store %arg16[%swap3A_66, %swap3A_67], %broadcast_in_dim3A_5 {strides = array<i32>} : memref<32x16xf32, #tpu.memory_space<vmem>>, vector<16xf32>,
    %swap3A_69 = arith.constant 16 : i32
    %swap3A_70 = arith.index_cast %swap3A_69 : i32 to index
    %swap3A_71 = arith.constant 0 : index
    %swap3A_72 = tpu.vector_load %arg16[%swap3A_70, %swap3A_71] {strides = array<i32>} : memref<32x16xf32, #tpu.memory_space<vmem>>, vector<16xf32>,
    tpu.vector_store %arg16[%swap3A_70, %swap3A_71], %broadcast_in_dim3A_5 {strides = array<i32>} : memref<32x16xf32, #tpu.memory_space<vmem>>, vector<16xf32>,
    %swap3A_73 = arith.constant 17 : i32
    %swap3A_74 = arith.index_cast %swap3A_73 : i32 to index
    %swap3A_75 = arith.constant 0 : index
    %swap3A_76 = tpu.vector_load %arg16[%swap3A_74, %swap3A_75] {strides = array<i32>} : memref<32x16xf32, #tpu.memory_space<vmem>>, vector<16xf32>,
    tpu.vector_store %arg16[%swap3A_74, %swap3A_75], %broadcast_in_dim3A_5 {strides = array<i32>} : memref<32x16xf32, #tpu.memory_space<vmem>>, vector<16xf32>,
    %swap3A_77 = arith.constant 18 : i32
    %swap3A_78 = arith.index_cast %swap3A_77 : i32 to index
    %swap3A_79 = arith.constant 0 : index
    %swap3A_80 = tpu.vector_load %arg16[%swap3A_78, %swap3A_79] {strides = array<i32>} : memref<32x16xf32, #tpu.memory_space<vmem>>, vector<16xf32>,
    tpu.vector_store %arg16[%swap3A_78, %swap3A_79], %broadcast_in_dim3A_5 {strides = array<i32>} : memref<32x16xf32, #tpu.memory_space<vmem>>, vector<16xf32>,
    %swap3A_81 = arith.constant 19 : i32
    %swap3A_82 = arith.index_cast %swap3A_81 : i32 to index
    %swap3A_83 = arith.constant 0 : index
    %swap3A_84 = tpu.vector_load %arg16[%swap3A_82, %swap3A_83] {strides = array<i32>} : memref<32x16xf32, #tpu.memory_space<vmem>>, vector<16xf32>,
    tpu.vector_store %arg16[%swap3A_82, %swap3A_83], %broadcast_in_dim3A_5 {strides = array<i32>} : memref<32x16xf32, #tpu.memory_space<vmem>>, vector<16xf32>,
    %swap3A_85 = arith.constant 20 : i32
    %swap3A_86 = arith.index_cast %swap3A_85 : i32 to index
    %swap3A_87 = arith.constant 0 : index
    %swap3A_88 = tpu.vector_load %arg16[%swap3A_86, %swap3A_87] {strides = array<i32>} : memref<32x16xf32, #tpu.memory_space<vmem>>, vector<16xf32>,
    tpu.vector_store %arg16[%swap3A_86, %swap3A_87], %broadcast_in_dim3A_5 {strides = array<i32>} : memref<32x16xf32, #tpu.memory_space<vmem>>, vector<16xf32>,
    %swap3A_89 = arith.constant 21 : i32
    %swap3A_90 = arith.index_cast %swap3A_89 : i32 to index
    %swap3A_91 = arith.constant 0 : index
    %swap3A_92 = tpu.vector_load %arg16[%swap3A_90, %swap3A_91] {strides = array<i32>} : memref<32x16xf32, #tpu.memory_space<vmem>>, vector<16xf32>,
    tpu.vector_store %arg16[%swap3A_90, %swap3A_91], %broadcast_in_dim3A_5 {strides = array<i32>} : memref<32x16xf32, #tpu.memory_space<vmem>>, vector<16xf32>,
    %swap3A_93 = arith.constant 22 : i32
    %swap3A_94 = arith.index_cast %swap3A_93 : i32 to index
    %swap3A_95 = arith.constant 0 : index
    %swap3A_96 = tpu.vector_load %arg16[%swap3A_94, %swap3A_95] {strides = array<i32>} : memref<32x16xf32, #tpu.memory_space<vmem>>, vector<16xf32>,
    tpu.vector_store %arg16[%swap3A_94, %swap3A_95], %broadcast_in_dim3A_5 {strides = array<i32>} : memref<32x16xf32, #tpu.memory_space<vmem>>, vector<16xf32>,
    %swap3A_97 = arith.constant 23 : i32
    %swap3A_98 = arith.index_cast %swap3A_97 : i32 to index
    %swap3A_99 = arith.constant 0 : index
    %swap3A_100 = tpu.vector_load %arg16[%swap3A_98, %swap3A_99] {strides = array<i32>} : memref<32x16xf32, #tpu.memory_space<vmem>>, vector<16xf32>,
    tpu.vector_store %arg16[%swap3A_98, %swap3A_99], %broadcast_in_dim3A_5 {strides = array<i32>} : memref<32x16xf32, #tpu.memory_space<vmem>>, vector<16xf32>,
    %swap3A_101 = arith.constant 24 : i32
    %swap3A_102 = arith.index_cast %swap3A_101 : i32 to index
    %swap3A_103 = arith.constant 0 : index
    %swap3A_104 = tpu.vector_load %arg16[%swap3A_102, %swap3A_103] {strides = array<i32>} : memref<32x16xf32, #tpu.memory_space<vmem>>, vector<16xf32>,
    tpu.vector_store %arg16[%swap3A_102, %swap3A_103], %broadcast_in_dim3A_5 {strides = array<i32>} : memref<32x16xf32, #tpu.memory_space<vmem>>, vector<16xf32>,
    %swap3A_105 = arith.constant 25 : i32
    %swap3A_106 = arith.index_cast %swap3A_105 : i32 to index
    %swap3A_107 = arith.constant 0 : index
    %swap3A_108 = tpu.vector_load %arg16[%swap3A_106, %swap3A_107] {strides = array<i32>} : memref<32x16xf32, #tpu.memory_space<vmem>>, vector<16xf32>,
    tpu.vector_store %arg16[%swap3A_106, %swap3A_107], %broadcast_in_dim3A_5 {strides = array<i32>} : memref<32x16xf32, #tpu.memory_space<vmem>>, vector<16xf32>,
    %swap3A_109 = arith.constant 26 : i32
    %swap3A_110 = arith.index_cast %swap3A_109 : i32 to index
    %swap3A_111 = arith.constant 0 : index
    %swap3A_112 = tpu.vector_load %arg16[%swap3A_110, %swap3A_111] {strides = array<i32>} : memref<32x16xf32, #tpu.memory_space<vmem>>, vector<16xf32>,
    tpu.vector_store %arg16[%swap3A_110, %swap3A_111], %broadcast_in_dim3A_5 {strides = array<i32>} : memref<32x16xf32, #tpu.memory_space<vmem>>, vector<16xf32>,
    %swap3A_113 = arith.constant 27 : i32
    %swap3A_114 = arith.index_cast %swap3A_113 : i32 to index
    %swap3A_115 = arith.constant 0 : index
    %swap3A_116 = tpu.vector_load %arg16[%swap3A_114, %swap3A_115] {strides = array<i32>} : memref<32x16xf32, #tpu.memory_space<vmem>>, vector<16xf32>,
    tpu.vector_store %arg16[%swap3A_114, %swap3A_115], %broadcast_in_dim3A_5 {strides = array<i32>} : memref<32x16xf32, #tpu.memory_space<vmem>>, vector<16xf32>,
    %swap3A_117 = arith.constant 28 : i32
    %swap3A_118 = arith.index_cast %swap3A_117 : i32 to index
    %swap3A_119 = arith.constant 0 : index
    %swap3A_120 = tpu.vector_load %arg16[%swap3A_118, %swap3A_119] {strides = array<i32>} : memref<32x16xf32, #tpu.memory_space<vmem>>, vector<16xf32>,
    tpu.vector_store %arg16[%swap3A_118, %swap3A_119], %broadcast_in_dim3A_5 {strides = array<i32>} : memref<32x16xf32, #tpu.memory_space<vmem>>, vector<16xf32>,
    %swap3A_121 = arith.constant 29 : i32
    %swap3A_122 = arith.index_cast %swap3A_121 : i32 to index
    %swap3A_123 = arith.constant 0 : index
    %swap3A_124 = tpu.vector_load %arg16[%swap3A_122, %swap3A_123] {strides = array<i32>} : memref<32x16xf32, #tpu.memory_space<vmem>>, vector<16xf32>,
    tpu.vector_store %arg16[%swap3A_122, %swap3A_123], %broadcast_in_dim3A_5 {strides = array<i32>} : memref<32x16xf32, #tpu.memory_space<vmem>>, vector<16xf32>,
    %swap3A_125 = arith.constant 30 : i32
    %swap3A_126 = arith.index_cast %swap3A_125 : i32 to index
    %swap3A_127 = arith.constant 0 : index
    %swap3A_128 = tpu.vector_load %arg16[%swap3A_126, %swap3A_127] {strides = array<i32>} : memref<32x16xf32, #tpu.memory_space<vmem>>, vector<16xf32>,
    tpu.vector_store %arg16[%swap3A_126, %swap3A_127], %broadcast_in_dim3A_5 {strides = array<i32>} : memref<32x16xf32, #tpu.memory_space<vmem>>, vector<16xf32>,
    %swap3A_129 = arith.constant 31 : i32
    %swap3A_130 = arith.index_cast %swap3A_129 : i32 to index
    %swap3A_131 = arith.constant 0 : index
    %swap3A_132 = tpu.vector_load %arg16[%swap3A_130, %swap3A_131] {strides = array<i32>} : memref<32x16xf32, #tpu.memory_space<vmem>>, vector<16xf32>,
    tpu.vector_store %arg16[%swap3A_130, %swap3A_131], %broadcast_in_dim3A_5 {strides = array<i32>} : memref<32x16xf32, #tpu.memory_space<vmem>>, vector<16xf32>,
    %broadcast_in_dim3A_133 = arith.constant 0 : i32
    %broadcast_in_dim3A_134 = vector.broadcast %broadcast_in_dim3A_133 : i32 to vector<16xi32>
    %broadcast_in_dim3A_135 = arith.constant 5000 : i32
    %broadcast_in_dim3A_136 = vector.broadcast %broadcast_in_dim3A_135 : i32 to vector<16xi32>
    %scan3A = arith.constant 0 : i32
    %scan3A_137 = arith.constant 0 : i32
    %scan3A_138 = arith.constant 640 : i32
    %scan3A_139 = arith.addi %scan3A_137, %scan3A_138 : i32
    %scan3A_140 = arith.constant 1 : i32
    scf.for %scan3A_178 = %scan3A_137 to %scan3A_139 step %scan3A_140  : i32 {
      %mul3A_179 = arith.constant 16 : i32
      %mul3A_180 = arith.muli %scan3A_178, %mul3A_179 : i32
      %swap3A_181 = arith.index_cast %mul3A_180 : i32 to index
      %swap3A_182 = tpu.vector_load %arg13[%swap3A_181] {strides = array<i32>} : memref<10240xi32, #tpu.memory_space<vmem>>, vector<16xi32>,
      tpu.vector_store %arg13[%swap3A_181], %broadcast_in_dim3A_134 {strides = array<i32>} : memref<10240xi32, #tpu.memory_space<vmem>>, vector<16xi32>,
      %mul3A_183 = arith.constant 16 : i32
      %mul3A_184 = arith.muli %scan3A_178, %mul3A_183 : i32
      %swap3A_185 = arith.index_cast %mul3A_184 : i32 to index
      %swap3A_186 = tpu.vector_load %arg14[%swap3A_185] {strides = array<i32>} : memref<10240xi32, #tpu.memory_space<vmem>>, vector<16xi32>,
      tpu.vector_store %arg14[%swap3A_185], %broadcast_in_dim3A_136 {strides = array<i32>} : memref<10240xi32, #tpu.memory_space<vmem>>, vector<16xi32>,
    }
    %scan3A_141 = arith.constant 640 : i32
    %scan3A_142 = arith.constant 0 : i32
    %scan3A_143 = arith.constant 0 : i32
    %scan3A_144 = arith.constant 25 : i32
    %scan3A_145 = arith.addi %scan3A_143, %scan3A_144 : i32
    %scan3A_146 = arith.constant 1 : i32
    %scan3A_147 = scf.for %scan3A_178 = %scan3A_143 to %scan3A_145 step %scan3A_146 iter_args(%scan3A_179 = %scan3A_142) -> (i32)  : i32 {
      %mul3A_180 = arith.constant 10000 : i32
      %mul3A_181 = arith.muli %arg1, %mul3A_180 : i32
      %mul3A_182 = arith.constant 400 : i32
      %mul3A_183 = arith.muli %scan3A_178, %mul3A_182 : i32
      %add3A_184 = arith.addi %mul3A_181, %mul3A_183 : i32
      "tpu.region"() ({
        %run_scoped3A = tpu.sem_alloc : memref<!tpu.dma_semaphore, #tpu.memory_space<semaphore_mem>>
        %dma_start3A = tpu.memref_slice %arg3[%add3A_184] : memref<160000xi32, #tpu.memory_space<hbm>> -> memref<400xi32, #tpu.memory_space<hbm>>
        %dma_start3A_191 = tpu.memref_slice %arg3[%add3A_184] : memref<160000xi32, #tpu.memory_space<hbm>> -> memref<400xi32, #tpu.memory_space<hbm>>
        tpu.enqueue_dma source(%dma_start3A_191 : memref<400xi32, #tpu.memory_space<hbm>>) target(%arg11 : memref<400xi32, #tpu.memory_space<vmem>>) target_semaphore(%run_scoped3A : memref<!tpu.dma_semaphore, #tpu.memory_space<semaphore_mem>>)
        %dma_wait3A = tpu.memref_slice %arg3[%add3A_184] : memref<160000xi32, #tpu.memory_space<hbm>> -> memref<400xi32, #tpu.memory_space<hbm>>
        %dma_wait3A_192 = tpu.memref_slice %arg3[%add3A_184] : memref<160000xi32, #tpu.memory_space<hbm>> -> memref<400xi32, #tpu.memory_space<hbm>>
        tpu.wait_dma2 semaphore(%run_scoped3A : memref<!tpu.dma_semaphore, #tpu.memory_space<semaphore_mem>>) src(%dma_wait3A_192 : memref<400xi32, #tpu.memory_space<hbm>>) dst(%arg11 : memref<400xi32, #tpu.memory_space<vmem>>)
        tpu.yield
      }) : () -> ()
      "tpu.region"() ({
        %run_scoped3A = tpu.sem_alloc : memref<!tpu.dma_semaphore, #tpu.memory_space<semaphore_mem>>
        %dma_start3A = tpu.memref_slice %arg4[%add3A_184] : memref<160000xi32, #tpu.memory_space<hbm>> -> memref<400xi32, #tpu.memory_space<hbm>>
        %dma_start3A_191 = tpu.memref_slice %arg4[%add3A_184] : memref<160000xi32, #tpu.memory_space<hbm>> -> memref<400xi32, #tpu.memory_space<hbm>>
        tpu.enqueue_dma source(%dma_start3A_191 : memref<400xi32, #tpu.memory_space<hbm>>) target(%arg12 : memref<400xi32, #tpu.memory_space<vmem>>) target_semaphore(%run_scoped3A : memref<!tpu.dma_semaphore, #tpu.memory_space<semaphore_mem>>)
        %dma_wait3A = tpu.memref_slice %arg4[%add3A_184] : memref<160000xi32, #tpu.memory_space<hbm>> -> memref<400xi32, #tpu.memory_space<hbm>>
        %dma_wait3A_192 = tpu.memref_slice %arg4[%add3A_184] : memref<160000xi32, #tpu.memory_space<hbm>> -> memref<400xi32, #tpu.memory_space<hbm>>
        tpu.wait_dma2 semaphore(%run_scoped3A : memref<!tpu.dma_semaphore, #tpu.memory_space<semaphore_mem>>) src(%dma_wait3A_192 : memref<400xi32, #tpu.memory_space<hbm>>) dst(%arg12 : memref<400xi32, #tpu.memory_space<vmem>>)
        tpu.yield
      }) : () -> ()
      %scan3A_185 = arith.constant 0 : i32
      %scan3A_186 = arith.constant 25 : i32
      %scan3A_187 = arith.addi %scan3A_185, %scan3A_186 : i32
      %scan3A_188 = arith.constant 1 : i32
      %scan3A_189 = scf.for %scan3A_191 = %scan3A_185 to %scan3A_187 step %scan3A_188 iter_args(%scan3A_192 = %scan3A_179) -> (i32)  : i32 {
        %mul3A_193 = arith.constant 16 : i32
        %mul3A_194 = arith.muli %scan3A_191, %mul3A_193 : i32
        %get3A = arith.index_cast %mul3A_194 : i32 to index
        %get3A_195 = tpu.vector_load %arg11[%get3A] {strides = array<i32>} : memref<400xi32, #tpu.memory_space<vmem>>, vector<16xi32>,
        %mul3A_196 = arith.constant 16 : i32
        %mul3A_197 = arith.muli %scan3A_191, %mul3A_196 : i32
        %get3A_198 = arith.index_cast %mul3A_197 : i32 to index
        %get3A_199 = tpu.vector_load %arg12[%get3A_198] {strides = array<i32>} : memref<400xi32, #tpu.memory_space<vmem>>, vector<16xi32>,
        %sub3A_200 = vector.broadcast %mul3A_0 : i32 to vector<16xi32>
        %sub3A_201 = arith.subi %get3A_199, %sub3A_200 : vector<16xi32>
        %ge3A = arith.constant 0 : i32
        %ge3A_202 = vector.broadcast %ge3A : i32 to vector<16xi32>
        %ge3A_203 = arith.cmpi sge, %sub3A_201, %ge3A_202 : vector<16xi32>
        %lt3A_204 = arith.constant 5000 : i32
        %lt3A_205 = vector.broadcast %lt3A_204 : i32 to vector<16xi32>
        %lt3A_206 = arith.cmpi slt, %sub3A_201, %lt3A_205 : vector<16xi32>
        %and3A_207 = arith.andi %ge3A_203, %lt3A_206 : vector<16xi1>
        %convert_element_type3A_208 = arith.extui %and3A_207 : vector<16xi1> to vector<16xi32>
        %broadcast_in_dim3A_209 = arith.constant true
        %broadcast_in_dim3A_210 = vector.broadcast %broadcast_in_dim3A_209 : i1 to vector<16xi1>
        %masked_cumsum3A = tpu.scan <sum>, %convert_element_type3A_208 masked %broadcast_in_dim3A_210 : vector<16xi32>, vector<16xi1> -> vector<16xi32>
        %add3A_211 = vector.broadcast %scan3A_192 : i32 to vector<16xi32>
        %add3A_212 = arith.addi %add3A_211, %masked_cumsum3A : vector<16xi32>
        %sub3A_213 = arith.constant 1 : i32
        %sub3A_214 = vector.broadcast %sub3A_213 : i32 to vector<16xi32>
        %sub3A_215 = arith.subi %add3A_212, %sub3A_214 : vector<16xi32>
        tpu.vector_store_idx %arg13[%sub3A_215], %get3A_195 masked %and3A_207 : memref<10240xi32, #tpu.memory_space<vmem>>[vector<16xi32>], vector<16xi32>, vector<16xi1>
        tpu.vector_store_idx %arg14[%sub3A_215], %sub3A_201 masked %and3A_207 : memref<10240xi32, #tpu.memory_space<vmem>>[vector<16xi32>], vector<16xi32>, vector<16xi1>
        %reduce_sum3A = arith.constant true
        %reduce_sum3A_216 = vector.broadcast %reduce_sum3A : i1 to vector<16xi1>
        %reduce_sum3A_217 = tpu.scan <sum>, %convert_element_type3A_208 masked %reduce_sum3A_216 : vector<16xi32>, vector<16xi1> -> vector<16xi32>
        %reduce_sum3A_218 = vector.extract %reduce_sum3A_217[15] : i32 from vector<16xi32>
        %add3A_219 = arith.addi %scan3A_192, %reduce_sum3A_218 : i32
        scf.yield %add3A_219 : i32
      }
      %scan3A_190 = arith.constant 25 : i32
      scf.yield %scan3A_189 : i32
    }
    %scan3A_148 = arith.constant 25 : i32
    %barrier3A = arith.constant 0 : index
    tpu.barrier barrier_id(%barrier3A)
    %add3A = arith.constant 31 : i32
    %add3A_149 = arith.addi %scan3A_147, %add3A : i32
    %jit3A = arith.constant 32 : i32
    %div3A = arith.divsi %add3A_149, %jit3A : i32
    %sign3A = arith.constant 0 : i32
    %sign3A_150 = arith.cmpi sgt, %add3A_149, %sign3A : i32
    %sign3A_151 = arith.extui %sign3A_150 : i1 to i32
    %sign3A_152 = arith.constant 0 : i32
    %sign3A_153 = arith.cmpi slt, %add3A_149, %sign3A_152 : i32
    %sign3A_154 = arith.extui %sign3A_153 : i1 to i32
    %sign3A_155 = arith.subi %sign3A_151, %sign3A_154 : i32
    %sign3A_156 = arith.constant 0 : i32
    %sign3A_157 = arith.cmpi sgt, %jit3A, %sign3A_156 : i32
    %sign3A_158 = arith.extui %sign3A_157 : i1 to i32
    %sign3A_159 = arith.constant 0 : i32
    %sign3A_160 = arith.cmpi slt, %jit3A, %sign3A_159 : i32
    %sign3A_161 = arith.extui %sign3A_160 : i1 to i32
    %sign3A_162 = arith.subi %sign3A_158, %sign3A_161 : i32
    %ne3A = arith.cmpi ne, %sign3A_155, %sign3A_162 : i32
    %rem3A = arith.remsi %add3A_149, %jit3A : i32
    %ne3A_163 = arith.constant 0 : i32
    %ne3A_164 = arith.cmpi ne, %rem3A, %ne3A_163 : i32
    %and3A = arith.andi %ne3A, %ne3A_164 : i1
    %sub3A = arith.constant 1 : i32
    %sub3A_165 = arith.subi %div3A, %sub3A : i32
    %select_n3A = arith.select %and3A, %sub3A_165, %div3A : i32
    %while3A = arith.constant 0 : i32
    %while3A_166 = arith.constant 0 : i32
    %while3A_167 = arith.subi %select_n3A, %while3A_166 : i32
    %while3A_168 = arith.addi %while3A_166, %while3A_167 : i32
    %while3A_169 = arith.constant 1 : i32
    %while3A_170 = arith.divsi %while3A_167, %while3A_169 : i32
    %while3A_171 = arith.muli %while3A_170, %while3A_169 : i32
    %while3A_172 = arith.addi %while3A_166, %while3A_171 : i32
    %while3A_173 = arith.constant 1 : i32
    scf.for %while3A_178 = %while3A_166 to %while3A_172 step %while3A_173  : i32 {
      %mul3A_179 = arith.constant 32 : i32
      %mul3A_180 = arith.muli %while3A_178, %mul3A_179 : i32
      %mul3A_181 = arith.constant 32 : i32
      %mul3A_182 = arith.muli %while3A_178, %mul3A_181 : i32
      %dma_start3A = tpu.memref_slice %arg13[%mul3A_180] : memref<10240xi32, #tpu.memory_space<vmem>> -> memref<32xi32, #tpu.memory_space<vmem>>
      %dma_start3A_183 = arith.constant 0 : i32
      %dma_start3A_184 = arith.constant 0 : i32
      %dma_start3A_185 = tpu.memref_slice %arg2[%dma_start3A_183, %dma_start3A_184] : memref<10000x256xf32, #tpu.memory_space<hbm>> -> memref<10000x256xf32, #tpu.memory_space<hbm>>
      tpu.enqueue_indirect_dma source(%dma_start3A_185 : memref<10000x256xf32, #tpu.memory_space<hbm>>) target(%arg15 : memref<32x256xf32, #tpu.memory_space<vmem>>) offsets(%dma_start3A : memref<32xi32, #tpu.memory_space<vmem>>) semaphore(%arg17 : memref<!tpu.dma_semaphore, #tpu.memory_space<semaphore_mem>>)
      %dma_wait3A = tpu.memref_slice %arg13[%mul3A_180] : memref<10240xi32, #tpu.memory_space<vmem>> -> memref<32xi32, #tpu.memory_space<vmem>>
      %dma_wait3A_186 = arith.constant 0 : i32
      %dma_wait3A_187 = arith.constant 0 : i32
      %dma_wait3A_188 = tpu.memref_slice %arg2[%dma_wait3A_186, %dma_wait3A_187] : memref<10000x256xf32, #tpu.memory_space<hbm>> -> memref<10000x256xf32, #tpu.memory_space<hbm>>
      tpu.wait_indirect_dma semaphore(%arg17 : memref<!tpu.dma_semaphore, #tpu.memory_space<semaphore_mem>>) src(%dma_wait3A_188 : memref<10000x256xf32, #tpu.memory_space<hbm>>) dst(%arg15 : memref<32x256xf32, #tpu.memory_space<vmem>>)
      "tpu.region"() ({
        %run_scoped3A = tpu.sem_alloc : memref<!tpu.dma_semaphore, #tpu.memory_space<semaphore_mem>>
        %dma_start3A_189 = tpu.memref_slice %arg14[%mul3A_182] : memref<10240xi32, #tpu.memory_space<vmem>> -> memref<32xi32, #tpu.memory_space<vmem>>
        %dma_start3A_190 = arith.constant 0 : i32
        %dma_start3A_191 = arith.constant 0 : i32
        %dma_start3A_192 = tpu.memref_slice %arg9[%dma_start3A_190, %dma_start3A_191] : memref<5120x256xf32, #tpu.memory_space<vmem_shared>> -> memref<5120x256xf32, #tpu.memory_space<vmem_shared>>
        tpu.enqueue_indirect_dma source(%arg15 : memref<32x256xf32, #tpu.memory_space<vmem>>) target(%dma_start3A_192 : memref<5120x256xf32, #tpu.memory_space<vmem_shared>>) offsets(%dma_start3A_189 : memref<32xi32, #tpu.memory_space<vmem>>) semaphore(%run_scoped3A : memref<!tpu.dma_semaphore, #tpu.memory_space<semaphore_mem>>) {add = true}
        %dma_wait3A_193 = tpu.memref_slice %arg14[%mul3A_182] : memref<10240xi32, #tpu.memory_space<vmem>> -> memref<32xi32, #tpu.memory_space<vmem>>
        %dma_wait3A_194 = arith.constant 0 : i32
        %dma_wait3A_195 = arith.constant 0 : i32
        %dma_wait3A_196 = tpu.memref_slice %arg9[%dma_wait3A_194, %dma_wait3A_195] : memref<5120x256xf32, #tpu.memory_space<vmem_shared>> -> memref<5120x256xf32, #tpu.memory_space<vmem_shared>>
        tpu.wait_indirect_dma semaphore(%run_scoped3A : memref<!tpu.dma_semaphore, #tpu.memory_space<semaphore_mem>>) src(%arg15 : memref<32x256xf32, #tpu.memory_space<vmem>>) dst(%dma_wait3A_196 : memref<5120x256xf32, #tpu.memory_space<vmem_shared>>)
        tpu.yield
      }) : () -> ()
      "tpu.region"() ({
        %run_scoped3A = tpu.sem_alloc : memref<!tpu.dma_semaphore, #tpu.memory_space<semaphore_mem>>
        %dma_start3A_189 = tpu.memref_slice %arg14[%mul3A_182] : memref<10240xi32, #tpu.memory_space<vmem>> -> memref<32xi32, #tpu.memory_space<vmem>>
        %dma_start3A_190 = arith.constant 0 : i32
        %dma_start3A_191 = arith.constant 0 : i32
        %dma_start3A_192 = tpu.memref_slice %arg10[%dma_start3A_190, %dma_start3A_191] : memref<5120x16xf32, #tpu.memory_space<vmem_shared>> -> memref<5120x16xf32, #tpu.memory_space<vmem_shared>>
        tpu.enqueue_indirect_dma source(%arg16 : memref<32x16xf32, #tpu.memory_space<vmem>>) target(%dma_start3A_192 : memref<5120x16xf32, #tpu.memory_space<vmem_shared>>) offsets(%dma_start3A_189 : memref<32xi32, #tpu.memory_space<vmem>>) semaphore(%run_scoped3A : memref<!tpu.dma_semaphore, #tpu.memory_space<semaphore_mem>>) {add = true}
        %dma_wait3A_193 = tpu.memref_slice %arg14[%mul3A_182] : memref<10240xi32, #tpu.memory_space<vmem>> -> memref<32xi32, #tpu.memory_space<vmem>>
        %dma_wait3A_194 = arith.constant 0 : i32
        %dma_wait3A_195 = arith.constant 0 : i32
        %dma_wait3A_196 = tpu.memref_slice %arg10[%dma_wait3A_194, %dma_wait3A_195] : memref<5120x16xf32, #tpu.memory_space<vmem_shared>> -> memref<5120x16xf32, #tpu.memory_space<vmem_shared>>
        tpu.wait_indirect_dma semaphore(%run_scoped3A : memref<!tpu.dma_semaphore, #tpu.memory_space<semaphore_mem>>) src(%arg16 : memref<32x16xf32, #tpu.memory_space<vmem>>) dst(%dma_wait3A_196 : memref<5120x16xf32, #tpu.memory_space<vmem_shared>>)
        tpu.yield
      }) : () -> ()
    }
    %while3A_174 = arith.constant 1 : i32
    scf.for %while3A_178 = %while3A_172 to %while3A_168 step %while3A_174  : i32 {
      %mul3A_179 = arith.constant 32 : i32
      %mul3A_180 = arith.muli %while3A_178, %mul3A_179 : i32
      %mul3A_181 = arith.constant 32 : i32
      %mul3A_182 = arith.muli %while3A_178, %mul3A_181 : i32
      %dma_start3A = tpu.memref_slice %arg13[%mul3A_180] : memref<10240xi32, #tpu.memory_space<vmem>> -> memref<32xi32, #tpu.memory_space<vmem>>
      %dma_start3A_183 = arith.constant 0 : i32
      %dma_start3A_184 = arith.constant 0 : i32
      %dma_start3A_185 = tpu.memref_slice %arg2[%dma_start3A_183, %dma_start3A_184] : memref<10000x256xf32, #tpu.memory_space<hbm>> -> memref<10000x256xf32, #tpu.memory_space<hbm>>
      tpu.enqueue_indirect_dma source(%dma_start3A_185 : memref<10000x256xf32, #tpu.memory_space<hbm>>) target(%arg15 : memref<32x256xf32, #tpu.memory_space<vmem>>) offsets(%dma_start3A : memref<32xi32, #tpu.memory_space<vmem>>) semaphore(%arg17 : memref<!tpu.dma_semaphore, #tpu.memory_space<semaphore_mem>>)
      %dma_wait3A = tpu.memref_slice %arg13[%mul3A_180] : memref<10240xi32, #tpu.memory_space<vmem>> -> memref<32xi32, #tpu.memory_space<vmem>>
      %dma_wait3A_186 = arith.constant 0 : i32
      %dma_wait3A_187 = arith.constant 0 : i32
      %dma_wait3A_188 = tpu.memref_slice %arg2[%dma_wait3A_186, %dma_wait3A_187] : memref<10000x256xf32, #tpu.memory_space<hbm>> -> memref<10000x256xf32, #tpu.memory_space<hbm>>
      tpu.wait_indirect_dma semaphore(%arg17 : memref<!tpu.dma_semaphore, #tpu.memory_space<semaphore_mem>>) src(%dma_wait3A_188 : memref<10000x256xf32, #tpu.memory_space<hbm>>) dst(%arg15 : memref<32x256xf32, #tpu.memory_space<vmem>>)
      "tpu.region"() ({
        %run_scoped3A = tpu.sem_alloc : memref<!tpu.dma_semaphore, #tpu.memory_space<semaphore_mem>>
        %dma_start3A_189 = tpu.memref_slice %arg14[%mul3A_182] : memref<10240xi32, #tpu.memory_space<vmem>> -> memref<32xi32, #tpu.memory_space<vmem>>
        %dma_start3A_190 = arith.constant 0 : i32
        %dma_start3A_191 = arith.constant 0 : i32
        %dma_start3A_192 = tpu.memref_slice %arg9[%dma_start3A_190, %dma_start3A_191] : memref<5120x256xf32, #tpu.memory_space<vmem_shared>> -> memref<5120x256xf32, #tpu.memory_space<vmem_shared>>
        tpu.enqueue_indirect_dma source(%arg15 : memref<32x256xf32, #tpu.memory_space<vmem>>) target(%dma_start3A_192 : memref<5120x256xf32, #tpu.memory_space<vmem_shared>>) offsets(%dma_start3A_189 : memref<32xi32, #tpu.memory_space<vmem>>) semaphore(%run_scoped3A : memref<!tpu.dma_semaphore, #tpu.memory_space<semaphore_mem>>) {add = true}
        %dma_wait3A_193 = tpu.memref_slice %arg14[%mul3A_182] : memref<10240xi32, #tpu.memory_space<vmem>> -> memref<32xi32, #tpu.memory_space<vmem>>
        %dma_wait3A_194 = arith.constant 0 : i32
        %dma_wait3A_195 = arith.constant 0 : i32
        %dma_wait3A_196 = tpu.memref_slice %arg9[%dma_wait3A_194, %dma_wait3A_195] : memref<5120x256xf32, #tpu.memory_space<vmem_shared>> -> memref<5120x256xf32, #tpu.memory_space<vmem_shared>>
        tpu.wait_indirect_dma semaphore(%run_scoped3A : memref<!tpu.dma_semaphore, #tpu.memory_space<semaphore_mem>>) src(%arg15 : memref<32x256xf32, #tpu.memory_space<vmem>>) dst(%dma_wait3A_196 : memref<5120x256xf32, #tpu.memory_space<vmem_shared>>)
        tpu.yield
      }) : () -> ()
      "tpu.region"() ({
        %run_scoped3A = tpu.sem_alloc : memref<!tpu.dma_semaphore, #tpu.memory_space<semaphore_mem>>
        %dma_start3A_189 = tpu.memref_slice %arg14[%mul3A_182] : memref<10240xi32, #tpu.memory_space<vmem>> -> memref<32xi32, #tpu.memory_space<vmem>>
        %dma_start3A_190 = arith.constant 0 : i32
        %dma_start3A_191 = arith.constant 0 : i32
        %dma_start3A_192 = tpu.memref_slice %arg10[%dma_start3A_190, %dma_start3A_191] : memref<5120x16xf32, #tpu.memory_space<vmem_shared>> -> memref<5120x16xf32, #tpu.memory_space<vmem_shared>>
        tpu.enqueue_indirect_dma source(%arg16 : memref<32x16xf32, #tpu.memory_space<vmem>>) target(%dma_start3A_192 : memref<5120x16xf32, #tpu.memory_space<vmem_shared>>) offsets(%dma_start3A_189 : memref<32xi32, #tpu.memory_space<vmem>>) semaphore(%run_scoped3A : memref<!tpu.dma_semaphore, #tpu.memory_space<semaphore_mem>>) {add = true}
        %dma_wait3A_193 = tpu.memref_slice %arg14[%mul3A_182] : memref<10240xi32, #tpu.memory_space<vmem>> -> memref<32xi32, #tpu.memory_space<vmem>>
        %dma_wait3A_194 = arith.constant 0 : i32
        %dma_wait3A_195 = arith.constant 0 : i32
        %dma_wait3A_196 = tpu.memref_slice %arg10[%dma_wait3A_194, %dma_wait3A_195] : memref<5120x16xf32, #tpu.memory_space<vmem_shared>> -> memref<5120x16xf32, #tpu.memory_space<vmem_shared>>
        tpu.wait_indirect_dma semaphore(%run_scoped3A : memref<!tpu.dma_semaphore, #tpu.memory_space<semaphore_mem>>) src(%arg16 : memref<32x16xf32, #tpu.memory_space<vmem>>) dst(%dma_wait3A_196 : memref<5120x16xf32, #tpu.memory_space<vmem_shared>>)
        tpu.yield
      }) : () -> ()
    }
    %barrier3A_175 = arith.constant 0 : index
    tpu.barrier barrier_id(%barrier3A_175)
    %lt3A = arith.constant 5 : i32
    %lt3A_176 = arith.cmpi slt, %arg1, %lt3A : i32
    %convert_element_type3A = arith.extui %lt3A_176 : i1 to i32
    %cond3A = arith.constant 0 : i32
    %cond3A_177 = arith.cmpi ne, %convert_element_type3A, %cond3A : i32
    scf.if %cond3A_177 {
      %mul3A_178 = arith.constant 1000 : i32
      %mul3A_179 = arith.muli %arg1, %mul3A_178 : i32
      %mul3A_180 = arith.constant 5000 : i32
      %mul3A_181 = arith.muli %arg0, %mul3A_180 : i32
      %add3A_182 = arith.addi %mul3A_181, %mul3A_179 : i32
      "tpu.region"() ({
        %run_scoped3A = tpu.sem_alloc : memref<!tpu.dma_semaphore, #tpu.memory_space<semaphore_mem>>
        %dma_start3A = arith.constant 0 : i32
        %dma_start3A_186 = tpu.memref_slice %arg7[%add3A_182, %dma_start3A] : memref<10000x256xf32, #tpu.memory_space<hbm>> -> memref<1000x256xf32, #tpu.memory_space<hbm>>
        %dma_start3A_187 = arith.constant 0 : i32
        %dma_start3A_188 = tpu.memref_slice %arg9[%mul3A_179, %dma_start3A_187] : memref<5120x256xf32, #tpu.memory_space<vmem_shared>> -> memref<1000x256xf32, #tpu.memory_space<vmem_shared>>
        tpu.enqueue_dma source(%dma_start3A_188 : memref<1000x256xf32, #tpu.memory_space<vmem_shared>>) target(%dma_start3A_186 : memref<1000x256xf32, #tpu.memory_space<hbm>>) target_semaphore(%run_scoped3A : memref<!tpu.dma_semaphore, #tpu.memory_space<semaphore_mem>>)
        %dma_wait3A = arith.constant 0 : i32
        %dma_wait3A_189 = tpu.memref_slice %arg7[%add3A_182, %dma_wait3A] : memref<10000x256xf32, #tpu.memory_space<hbm>> -> memref<1000x256xf32, #tpu.memory_space<hbm>>
        %dma_wait3A_190 = arith.constant 0 : i32
        %dma_wait3A_191 = tpu.memref_slice %arg9[%mul3A_179, %dma_wait3A_190] : memref<5120x256xf32, #tpu.memory_space<vmem_shared>> -> memref<1000x256xf32, #tpu.memory_space<vmem_shared>>
        tpu.wait_dma2 semaphore(%run_scoped3A : memref<!tpu.dma_semaphore, #tpu.memory_space<semaphore_mem>>) src(%dma_wait3A_191 : memref<1000x256xf32, #tpu.memory_space<vmem_shared>>) dst(%dma_wait3A_189 : memref<1000x256xf32, #tpu.memory_space<hbm>>)
        tpu.yield
      }) : () -> ()
      %mul3A_183 = arith.constant 5000 : i32
      %mul3A_184 = arith.muli %arg0, %mul3A_183 : i32
      %add3A_185 = arith.addi %mul3A_184, %mul3A_179 : i32
      "tpu.region"() ({
        %run_scoped3A = tpu.sem_alloc : memref<!tpu.dma_semaphore, #tpu.memory_space<semaphore_mem>>
        %dma_start3A = arith.constant 0 : i32
        %dma_start3A_186 = tpu.memref_slice %arg8[%add3A_185, %dma_start3A] : memref<10000x16xf32, #tpu.memory_space<hbm>> -> memref<1000x16xf32, #tpu.memory_space<hbm>>
        %dma_start3A_187 = arith.constant 0 : i32
        %dma_start3A_188 = tpu.memref_slice %arg10[%mul3A_179, %dma_start3A_187] : memref<5120x16xf32, #tpu.memory_space<vmem_shared>> -> memref<1000x16xf32, #tpu.memory_space<vmem_shared>>
        tpu.enqueue_dma source(%dma_start3A_188 : memref<1000x16xf32, #tpu.memory_space<vmem_shared>>) target(%dma_start3A_186 : memref<1000x16xf32, #tpu.memory_space<hbm>>) target_semaphore(%run_scoped3A : memref<!tpu.dma_semaphore, #tpu.memory_space<semaphore_mem>>)
        %dma_wait3A = arith.constant 0 : i32
        %dma_wait3A_189 = tpu.memref_slice %arg8[%add3A_185, %dma_wait3A] : memref<10000x16xf32, #tpu.memory_space<hbm>> -> memref<1000x16xf32, #tpu.memory_space<hbm>>
        %dma_wait3A_190 = arith.constant 0 : i32
        %dma_wait3A_191 = tpu.memref_slice %arg10[%mul3A_179, %dma_wait3A_190] : memref<5120x16xf32, #tpu.memory_space<vmem_shared>> -> memref<1000x16xf32, #tpu.memory_space<vmem_shared>>
        tpu.wait_dma2 semaphore(%run_scoped3A : memref<!tpu.dma_semaphore, #tpu.memory_space<semaphore_mem>>) src(%dma_wait3A_191 : memref<1000x16xf32, #tpu.memory_space<vmem_shared>>) dst(%dma_wait3A_189 : memref<1000x16xf32, #tpu.memory_space<hbm>>)
        tpu.yield
      }) : () -> ()
    } else {
    }
    return
  }
}

#map = affine_map<(d0, d1) -> (0, 0)>
#map1 = affine_map<(d0, d1) -> (0)>
module attributes {stable_mosaic.version = 14 : i64} {
  func.func @body(%arg0: i32, %arg1: i32, %arg2: memref<10000x256xf32, #tpu.memory_space<hbm>>, %arg3: memref<160000xi32, #tpu.memory_space<hbm>>, %arg4: memref<160000xi32, #tpu.memory_space<hbm>>, %arg5: memref<320x256xf32, #tpu.memory_space<hbm>>, %arg6: memref<320x16xf32, #tpu.memory_space<hbm>>, %arg7: memref<10000x256xf32, #tpu.memory_space<hbm>>, %arg8: memref<5120x256xf32, #tpu.memory_space<vmem_shared>>, %arg9: memref<5120x16xf32, #tpu.memory_space<vmem_shared>>, %arg10: memref<400xi32, #tpu.memory_space<vmem>>, %arg11: memref<400xi32, #tpu.memory_space<vmem>>, %arg12: memref<10240xi32, #tpu.memory_space<vmem>>, %arg13: memref<10240xi32, #tpu.memory_space<vmem>>, %arg14: memref<32x256xf32, #tpu.memory_space<vmem>>, %arg15: memref<32x16xf32, #tpu.memory_space<vmem>>, %arg16: memref<!tpu.dma_semaphore, #tpu.memory_space<semaphore_mem>>) attributes {dimension_semantics = [#tpu.dimension_semantics<core_parallel>, #tpu.dimension_semantics<subcore_parallel>], iteration_bounds = array<i64: 2, 16>, scalar_prefetch = 0 : i64, scratch_operands = 9 : i64, tpu.core_type = #tpu.core_type<sc_vector_subcore>, window_params = [{transform_indices = #map}, {transform_indices = #map1}, {transform_indices = #map1}, {transform_indices = #map}, {transform_indices = #map}, {transform_indices = #map}]} {
    %mul3A = arith.constant 5000 : i32
    %mul3A_0 = arith.muli %arg0, %mul3A : i32
    %mul3A_1 = arith.constant 320 : i32
    %mul3A_2 = arith.muli %arg1, %mul3A_1 : i32
    "tpu.region"() ({
      %run_scoped3A = tpu.sem_alloc : memref<!tpu.dma_semaphore, #tpu.memory_space<semaphore_mem>>
      %dma_start3A = arith.constant 0 : i32
      %dma_start3A_47 = tpu.memref_slice %arg8[%mul3A_2, %dma_start3A] : memref<5120x256xf32, #tpu.memory_space<vmem_shared>> -> memref<320x256xf32, #tpu.memory_space<vmem_shared>>
      tpu.enqueue_dma source(%arg5 : memref<320x256xf32, #tpu.memory_space<hbm>>) target(%dma_start3A_47 : memref<320x256xf32, #tpu.memory_space<vmem_shared>>) target_semaphore(%run_scoped3A : memref<!tpu.dma_semaphore, #tpu.memory_space<semaphore_mem>>)
      %dma_wait3A = arith.constant 0 : i32
      %dma_wait3A_48 = tpu.memref_slice %arg8[%mul3A_2, %dma_wait3A] : memref<5120x256xf32, #tpu.memory_space<vmem_shared>> -> memref<320x256xf32, #tpu.memory_space<vmem_shared>>
      tpu.wait_dma2 semaphore(%run_scoped3A : memref<!tpu.dma_semaphore, #tpu.memory_space<semaphore_mem>>) src(%arg5 : memref<320x256xf32, #tpu.memory_space<hbm>>) dst(%dma_wait3A_48 : memref<320x256xf32, #tpu.memory_space<vmem_shared>>)
      tpu.yield
    }) : () -> ()
    %broadcast_in_dim3A = arith.constant 0 : i32
    %broadcast_in_dim3A_3 = vector.broadcast %broadcast_in_dim3A : i32 to vector<16xi32>
    %broadcast_in_dim3A_4 = arith.constant 5000 : i32
    %broadcast_in_dim3A_5 = vector.broadcast %broadcast_in_dim3A_4 : i32 to vector<16xi32>
    %scan3A = arith.constant 0 : i32
    %scan3A_6 = arith.constant 0 : i32
    %scan3A_7 = arith.constant 640 : i32
    %scan3A_8 = arith.addi %scan3A_6, %scan3A_7 : i32
    %scan3A_9 = arith.constant 1 : i32
    scf.for %scan3A_47 = %scan3A_6 to %scan3A_8 step %scan3A_9  : i32 {
      %mul3A_48 = arith.constant 16 : i32
      %mul3A_49 = arith.muli %scan3A_47, %mul3A_48 : i32
      %swap3A = arith.index_cast %mul3A_49 : i32 to index
      %swap3A_50 = tpu.vector_load %arg12[%swap3A] {strides = array<i32>} : memref<10240xi32, #tpu.memory_space<vmem>>, vector<16xi32>,
      tpu.vector_store %arg12[%swap3A], %broadcast_in_dim3A_3 {strides = array<i32>} : memref<10240xi32, #tpu.memory_space<vmem>>, vector<16xi32>,
      %mul3A_51 = arith.constant 16 : i32
      %mul3A_52 = arith.muli %scan3A_47, %mul3A_51 : i32
      %swap3A_53 = arith.index_cast %mul3A_52 : i32 to index
      %swap3A_54 = tpu.vector_load %arg13[%swap3A_53] {strides = array<i32>} : memref<10240xi32, #tpu.memory_space<vmem>>, vector<16xi32>,
      tpu.vector_store %arg13[%swap3A_53], %broadcast_in_dim3A_5 {strides = array<i32>} : memref<10240xi32, #tpu.memory_space<vmem>>, vector<16xi32>,
    }
    %scan3A_10 = arith.constant 640 : i32
    %scan3A_11 = arith.constant 0 : i32
    %scan3A_12 = arith.constant 0 : i32
    %scan3A_13 = arith.constant 25 : i32
    %scan3A_14 = arith.addi %scan3A_12, %scan3A_13 : i32
    %scan3A_15 = arith.constant 1 : i32
    %scan3A_16 = scf.for %scan3A_47 = %scan3A_12 to %scan3A_14 step %scan3A_15 iter_args(%scan3A_48 = %scan3A_11) -> (i32)  : i32 {
      %mul3A_49 = arith.constant 10000 : i32
      %mul3A_50 = arith.muli %arg1, %mul3A_49 : i32
      %mul3A_51 = arith.constant 400 : i32
      %mul3A_52 = arith.muli %scan3A_47, %mul3A_51 : i32
      %add3A_53 = arith.addi %mul3A_50, %mul3A_52 : i32
      "tpu.region"() ({
        %run_scoped3A = tpu.sem_alloc : memref<!tpu.dma_semaphore, #tpu.memory_space<semaphore_mem>>
        %dma_start3A = tpu.memref_slice %arg3[%add3A_53] : memref<160000xi32, #tpu.memory_space<hbm>> -> memref<400xi32, #tpu.memory_space<hbm>>
        %dma_start3A_60 = tpu.memref_slice %arg3[%add3A_53] : memref<160000xi32, #tpu.memory_space<hbm>> -> memref<400xi32, #tpu.memory_space<hbm>>
        tpu.enqueue_dma source(%dma_start3A_60 : memref<400xi32, #tpu.memory_space<hbm>>) target(%arg10 : memref<400xi32, #tpu.memory_space<vmem>>) target_semaphore(%run_scoped3A : memref<!tpu.dma_semaphore, #tpu.memory_space<semaphore_mem>>)
        %dma_wait3A = tpu.memref_slice %arg3[%add3A_53] : memref<160000xi32, #tpu.memory_space<hbm>> -> memref<400xi32, #tpu.memory_space<hbm>>
        %dma_wait3A_61 = tpu.memref_slice %arg3[%add3A_53] : memref<160000xi32, #tpu.memory_space<hbm>> -> memref<400xi32, #tpu.memory_space<hbm>>
        tpu.wait_dma2 semaphore(%run_scoped3A : memref<!tpu.dma_semaphore, #tpu.memory_space<semaphore_mem>>) src(%dma_wait3A_61 : memref<400xi32, #tpu.memory_space<hbm>>) dst(%arg10 : memref<400xi32, #tpu.memory_space<vmem>>)
        tpu.yield
      }) : () -> ()
      "tpu.region"() ({
        %run_scoped3A = tpu.sem_alloc : memref<!tpu.dma_semaphore, #tpu.memory_space<semaphore_mem>>
        %dma_start3A = tpu.memref_slice %arg4[%add3A_53] : memref<160000xi32, #tpu.memory_space<hbm>> -> memref<400xi32, #tpu.memory_space<hbm>>
        %dma_start3A_60 = tpu.memref_slice %arg4[%add3A_53] : memref<160000xi32, #tpu.memory_space<hbm>> -> memref<400xi32, #tpu.memory_space<hbm>>
        tpu.enqueue_dma source(%dma_start3A_60 : memref<400xi32, #tpu.memory_space<hbm>>) target(%arg11 : memref<400xi32, #tpu.memory_space<vmem>>) target_semaphore(%run_scoped3A : memref<!tpu.dma_semaphore, #tpu.memory_space<semaphore_mem>>)
        %dma_wait3A = tpu.memref_slice %arg4[%add3A_53] : memref<160000xi32, #tpu.memory_space<hbm>> -> memref<400xi32, #tpu.memory_space<hbm>>
        %dma_wait3A_61 = tpu.memref_slice %arg4[%add3A_53] : memref<160000xi32, #tpu.memory_space<hbm>> -> memref<400xi32, #tpu.memory_space<hbm>>
        tpu.wait_dma2 semaphore(%run_scoped3A : memref<!tpu.dma_semaphore, #tpu.memory_space<semaphore_mem>>) src(%dma_wait3A_61 : memref<400xi32, #tpu.memory_space<hbm>>) dst(%arg11 : memref<400xi32, #tpu.memory_space<vmem>>)
        tpu.yield
      }) : () -> ()
      %scan3A_54 = arith.constant 0 : i32
      %scan3A_55 = arith.constant 25 : i32
      %scan3A_56 = arith.addi %scan3A_54, %scan3A_55 : i32
      %scan3A_57 = arith.constant 1 : i32
      %scan3A_58 = scf.for %scan3A_60 = %scan3A_54 to %scan3A_56 step %scan3A_57 iter_args(%scan3A_61 = %scan3A_48) -> (i32)  : i32 {
        %mul3A_62 = arith.constant 16 : i32
        %mul3A_63 = arith.muli %scan3A_60, %mul3A_62 : i32
        %get3A = arith.index_cast %mul3A_63 : i32 to index
        %get3A_64 = tpu.vector_load %arg10[%get3A] {strides = array<i32>} : memref<400xi32, #tpu.memory_space<vmem>>, vector<16xi32>,
        %mul3A_65 = arith.constant 16 : i32
        %mul3A_66 = arith.muli %scan3A_60, %mul3A_65 : i32
        %get3A_67 = arith.index_cast %mul3A_66 : i32 to index
        %get3A_68 = tpu.vector_load %arg11[%get3A_67] {strides = array<i32>} : memref<400xi32, #tpu.memory_space<vmem>>, vector<16xi32>,
        %sub3A_69 = vector.broadcast %mul3A_0 : i32 to vector<16xi32>
        %sub3A_70 = arith.subi %get3A_68, %sub3A_69 : vector<16xi32>
        %ge3A = arith.constant 0 : i32
        %ge3A_71 = vector.broadcast %ge3A : i32 to vector<16xi32>
        %ge3A_72 = arith.cmpi sge, %sub3A_70, %ge3A_71 : vector<16xi32>
        %lt3A_73 = arith.constant 5000 : i32
        %lt3A_74 = vector.broadcast %lt3A_73 : i32 to vector<16xi32>
        %lt3A_75 = arith.cmpi slt, %sub3A_70, %lt3A_74 : vector<16xi32>
        %and3A_76 = arith.andi %ge3A_72, %lt3A_75 : vector<16xi1>
        %convert_element_type3A_77 = arith.extui %and3A_76 : vector<16xi1> to vector<16xi32>
        %broadcast_in_dim3A_78 = arith.constant true
        %broadcast_in_dim3A_79 = vector.broadcast %broadcast_in_dim3A_78 : i1 to vector<16xi1>
        %masked_cumsum3A = tpu.scan <sum>, %convert_element_type3A_77 masked %broadcast_in_dim3A_79 : vector<16xi32>, vector<16xi1> -> vector<16xi32>
        %add3A_80 = vector.broadcast %scan3A_61 : i32 to vector<16xi32>
        %add3A_81 = arith.addi %add3A_80, %masked_cumsum3A : vector<16xi32>
        %sub3A_82 = arith.constant 1 : i32
        %sub3A_83 = vector.broadcast %sub3A_82 : i32 to vector<16xi32>
        %sub3A_84 = arith.subi %add3A_81, %sub3A_83 : vector<16xi32>
        tpu.vector_store_idx %arg12[%sub3A_84], %get3A_64 masked %and3A_76 : memref<10240xi32, #tpu.memory_space<vmem>>[vector<16xi32>], vector<16xi32>, vector<16xi1>
        tpu.vector_store_idx %arg13[%sub3A_84], %sub3A_70 masked %and3A_76 : memref<10240xi32, #tpu.memory_space<vmem>>[vector<16xi32>], vector<16xi32>, vector<16xi1>
        %reduce_sum3A = arith.constant true
        %reduce_sum3A_85 = vector.broadcast %reduce_sum3A : i1 to vector<16xi1>
        %reduce_sum3A_86 = tpu.scan <sum>, %convert_element_type3A_77 masked %reduce_sum3A_85 : vector<16xi32>, vector<16xi1> -> vector<16xi32>
        %reduce_sum3A_87 = vector.extract %reduce_sum3A_86[15] : i32 from vector<16xi32>
        %add3A_88 = arith.addi %scan3A_61, %reduce_sum3A_87 : i32
        scf.yield %add3A_88 : i32
      }
      %scan3A_59 = arith.constant 25 : i32
      scf.yield %scan3A_58 : i32
    }
    %scan3A_17 = arith.constant 25 : i32
    %barrier3A = arith.constant 0 : index
    tpu.barrier barrier_id(%barrier3A)
    %add3A = arith.constant 31 : i32
    %add3A_18 = arith.addi %scan3A_16, %add3A : i32
    %jit3A = arith.constant 32 : i32
    %div3A = arith.divsi %add3A_18, %jit3A : i32
    %sign3A = arith.constant 0 : i32
    %sign3A_19 = arith.cmpi sgt, %add3A_18, %sign3A : i32
    %sign3A_20 = arith.extui %sign3A_19 : i1 to i32
    %sign3A_21 = arith.constant 0 : i32
    %sign3A_22 = arith.cmpi slt, %add3A_18, %sign3A_21 : i32
    %sign3A_23 = arith.extui %sign3A_22 : i1 to i32
    %sign3A_24 = arith.subi %sign3A_20, %sign3A_23 : i32
    %sign3A_25 = arith.constant 0 : i32
    %sign3A_26 = arith.cmpi sgt, %jit3A, %sign3A_25 : i32
    %sign3A_27 = arith.extui %sign3A_26 : i1 to i32
    %sign3A_28 = arith.constant 0 : i32
    %sign3A_29 = arith.cmpi slt, %jit3A, %sign3A_28 : i32
    %sign3A_30 = arith.extui %sign3A_29 : i1 to i32
    %sign3A_31 = arith.subi %sign3A_27, %sign3A_30 : i32
    %ne3A = arith.cmpi ne, %sign3A_24, %sign3A_31 : i32
    %rem3A = arith.remsi %add3A_18, %jit3A : i32
    %ne3A_32 = arith.constant 0 : i32
    %ne3A_33 = arith.cmpi ne, %rem3A, %ne3A_32 : i32
    %and3A = arith.andi %ne3A, %ne3A_33 : i1
    %sub3A = arith.constant 1 : i32
    %sub3A_34 = arith.subi %div3A, %sub3A : i32
    %select_n3A = arith.select %and3A, %sub3A_34, %div3A : i32
    %while3A = arith.constant 0 : i32
    %while3A_35 = arith.constant 0 : i32
    %while3A_36 = arith.subi %select_n3A, %while3A_35 : i32
    %while3A_37 = arith.addi %while3A_35, %while3A_36 : i32
    %while3A_38 = arith.constant 1 : i32
    %while3A_39 = arith.divsi %while3A_36, %while3A_38 : i32
    %while3A_40 = arith.muli %while3A_39, %while3A_38 : i32
    %while3A_41 = arith.addi %while3A_35, %while3A_40 : i32
    %while3A_42 = arith.constant 1 : i32
    scf.for %while3A_47 = %while3A_35 to %while3A_41 step %while3A_42  : i32 {
      %mul3A_48 = arith.constant 32 : i32
      %mul3A_49 = arith.muli %while3A_47, %mul3A_48 : i32
      %mul3A_50 = arith.constant 32 : i32
      %mul3A_51 = arith.muli %while3A_47, %mul3A_50 : i32
      %dma_start3A = tpu.memref_slice %arg12[%mul3A_49] : memref<10240xi32, #tpu.memory_space<vmem>> -> memref<32xi32, #tpu.memory_space<vmem>>
      %dma_start3A_52 = arith.constant 0 : i32
      %dma_start3A_53 = arith.constant 0 : i32
      %dma_start3A_54 = tpu.memref_slice %arg2[%dma_start3A_52, %dma_start3A_53] : memref<10000x256xf32, #tpu.memory_space<hbm>> -> memref<10000x256xf32, #tpu.memory_space<hbm>>
      tpu.enqueue_indirect_dma source(%dma_start3A_54 : memref<10000x256xf32, #tpu.memory_space<hbm>>) target(%arg14 : memref<32x256xf32, #tpu.memory_space<vmem>>) offsets(%dma_start3A : memref<32xi32, #tpu.memory_space<vmem>>) semaphore(%arg16 : memref<!tpu.dma_semaphore, #tpu.memory_space<semaphore_mem>>)
      %dma_wait3A = tpu.memref_slice %arg12[%mul3A_49] : memref<10240xi32, #tpu.memory_space<vmem>> -> memref<32xi32, #tpu.memory_space<vmem>>
      %dma_wait3A_55 = arith.constant 0 : i32
      %dma_wait3A_56 = arith.constant 0 : i32
      %dma_wait3A_57 = tpu.memref_slice %arg2[%dma_wait3A_55, %dma_wait3A_56] : memref<10000x256xf32, #tpu.memory_space<hbm>> -> memref<10000x256xf32, #tpu.memory_space<hbm>>
      tpu.wait_indirect_dma semaphore(%arg16 : memref<!tpu.dma_semaphore, #tpu.memory_space<semaphore_mem>>) src(%dma_wait3A_57 : memref<10000x256xf32, #tpu.memory_space<hbm>>) dst(%arg14 : memref<32x256xf32, #tpu.memory_space<vmem>>)
      "tpu.region"() ({
        %run_scoped3A = tpu.sem_alloc : memref<!tpu.dma_semaphore, #tpu.memory_space<semaphore_mem>>
        %dma_start3A_58 = tpu.memref_slice %arg13[%mul3A_51] : memref<10240xi32, #tpu.memory_space<vmem>> -> memref<32xi32, #tpu.memory_space<vmem>>
        %dma_start3A_59 = arith.constant 0 : i32
        %dma_start3A_60 = arith.constant 0 : i32
        %dma_start3A_61 = tpu.memref_slice %arg8[%dma_start3A_59, %dma_start3A_60] : memref<5120x256xf32, #tpu.memory_space<vmem_shared>> -> memref<5120x256xf32, #tpu.memory_space<vmem_shared>>
        tpu.enqueue_indirect_dma source(%arg14 : memref<32x256xf32, #tpu.memory_space<vmem>>) target(%dma_start3A_61 : memref<5120x256xf32, #tpu.memory_space<vmem_shared>>) offsets(%dma_start3A_58 : memref<32xi32, #tpu.memory_space<vmem>>) semaphore(%run_scoped3A : memref<!tpu.dma_semaphore, #tpu.memory_space<semaphore_mem>>) {add = true}
        %dma_wait3A_62 = tpu.memref_slice %arg13[%mul3A_51] : memref<10240xi32, #tpu.memory_space<vmem>> -> memref<32xi32, #tpu.memory_space<vmem>>
        %dma_wait3A_63 = arith.constant 0 : i32
        %dma_wait3A_64 = arith.constant 0 : i32
        %dma_wait3A_65 = tpu.memref_slice %arg8[%dma_wait3A_63, %dma_wait3A_64] : memref<5120x256xf32, #tpu.memory_space<vmem_shared>> -> memref<5120x256xf32, #tpu.memory_space<vmem_shared>>
        tpu.wait_indirect_dma semaphore(%run_scoped3A : memref<!tpu.dma_semaphore, #tpu.memory_space<semaphore_mem>>) src(%arg14 : memref<32x256xf32, #tpu.memory_space<vmem>>) dst(%dma_wait3A_65 : memref<5120x256xf32, #tpu.memory_space<vmem_shared>>)
        tpu.yield
      }) : () -> ()
    }
    %while3A_43 = arith.constant 1 : i32
    scf.for %while3A_47 = %while3A_41 to %while3A_37 step %while3A_43  : i32 {
      %mul3A_48 = arith.constant 32 : i32
      %mul3A_49 = arith.muli %while3A_47, %mul3A_48 : i32
      %mul3A_50 = arith.constant 32 : i32
      %mul3A_51 = arith.muli %while3A_47, %mul3A_50 : i32
      %dma_start3A = tpu.memref_slice %arg12[%mul3A_49] : memref<10240xi32, #tpu.memory_space<vmem>> -> memref<32xi32, #tpu.memory_space<vmem>>
      %dma_start3A_52 = arith.constant 0 : i32
      %dma_start3A_53 = arith.constant 0 : i32
      %dma_start3A_54 = tpu.memref_slice %arg2[%dma_start3A_52, %dma_start3A_53] : memref<10000x256xf32, #tpu.memory_space<hbm>> -> memref<10000x256xf32, #tpu.memory_space<hbm>>
      tpu.enqueue_indirect_dma source(%dma_start3A_54 : memref<10000x256xf32, #tpu.memory_space<hbm>>) target(%arg14 : memref<32x256xf32, #tpu.memory_space<vmem>>) offsets(%dma_start3A : memref<32xi32, #tpu.memory_space<vmem>>) semaphore(%arg16 : memref<!tpu.dma_semaphore, #tpu.memory_space<semaphore_mem>>)
      %dma_wait3A = tpu.memref_slice %arg12[%mul3A_49] : memref<10240xi32, #tpu.memory_space<vmem>> -> memref<32xi32, #tpu.memory_space<vmem>>
      %dma_wait3A_55 = arith.constant 0 : i32
      %dma_wait3A_56 = arith.constant 0 : i32
      %dma_wait3A_57 = tpu.memref_slice %arg2[%dma_wait3A_55, %dma_wait3A_56] : memref<10000x256xf32, #tpu.memory_space<hbm>> -> memref<10000x256xf32, #tpu.memory_space<hbm>>
      tpu.wait_indirect_dma semaphore(%arg16 : memref<!tpu.dma_semaphore, #tpu.memory_space<semaphore_mem>>) src(%dma_wait3A_57 : memref<10000x256xf32, #tpu.memory_space<hbm>>) dst(%arg14 : memref<32x256xf32, #tpu.memory_space<vmem>>)
      "tpu.region"() ({
        %run_scoped3A = tpu.sem_alloc : memref<!tpu.dma_semaphore, #tpu.memory_space<semaphore_mem>>
        %dma_start3A_58 = tpu.memref_slice %arg13[%mul3A_51] : memref<10240xi32, #tpu.memory_space<vmem>> -> memref<32xi32, #tpu.memory_space<vmem>>
        %dma_start3A_59 = arith.constant 0 : i32
        %dma_start3A_60 = arith.constant 0 : i32
        %dma_start3A_61 = tpu.memref_slice %arg8[%dma_start3A_59, %dma_start3A_60] : memref<5120x256xf32, #tpu.memory_space<vmem_shared>> -> memref<5120x256xf32, #tpu.memory_space<vmem_shared>>
        tpu.enqueue_indirect_dma source(%arg14 : memref<32x256xf32, #tpu.memory_space<vmem>>) target(%dma_start3A_61 : memref<5120x256xf32, #tpu.memory_space<vmem_shared>>) offsets(%dma_start3A_58 : memref<32xi32, #tpu.memory_space<vmem>>) semaphore(%run_scoped3A : memref<!tpu.dma_semaphore, #tpu.memory_space<semaphore_mem>>) {add = true}
        %dma_wait3A_62 = tpu.memref_slice %arg13[%mul3A_51] : memref<10240xi32, #tpu.memory_space<vmem>> -> memref<32xi32, #tpu.memory_space<vmem>>
        %dma_wait3A_63 = arith.constant 0 : i32
        %dma_wait3A_64 = arith.constant 0 : i32
        %dma_wait3A_65 = tpu.memref_slice %arg8[%dma_wait3A_63, %dma_wait3A_64] : memref<5120x256xf32, #tpu.memory_space<vmem_shared>> -> memref<5120x256xf32, #tpu.memory_space<vmem_shared>>
        tpu.wait_indirect_dma semaphore(%run_scoped3A : memref<!tpu.dma_semaphore, #tpu.memory_space<semaphore_mem>>) src(%arg14 : memref<32x256xf32, #tpu.memory_space<vmem>>) dst(%dma_wait3A_65 : memref<5120x256xf32, #tpu.memory_space<vmem_shared>>)
        tpu.yield
      }) : () -> ()
    }
    %barrier3A_44 = arith.constant 0 : index
    tpu.barrier barrier_id(%barrier3A_44)
    %lt3A = arith.constant 5 : i32
    %lt3A_45 = arith.cmpi slt, %arg1, %lt3A : i32
    %convert_element_type3A = arith.extui %lt3A_45 : i1 to i32
    %cond3A = arith.constant 0 : i32
    %cond3A_46 = arith.cmpi ne, %convert_element_type3A, %cond3A : i32
    scf.if %cond3A_46 {
      %mul3A_47 = arith.constant 1000 : i32
      %mul3A_48 = arith.muli %arg1, %mul3A_47 : i32
      %mul3A_49 = arith.constant 5000 : i32
      %mul3A_50 = arith.muli %arg0, %mul3A_49 : i32
      %add3A_51 = arith.addi %mul3A_50, %mul3A_48 : i32
      "tpu.region"() ({
        %run_scoped3A = tpu.sem_alloc : memref<!tpu.dma_semaphore, #tpu.memory_space<semaphore_mem>>
        %dma_start3A = arith.constant 0 : i32
        %dma_start3A_52 = tpu.memref_slice %arg7[%add3A_51, %dma_start3A] : memref<10000x256xf32, #tpu.memory_space<hbm>> -> memref<1000x256xf32, #tpu.memory_space<hbm>>
        %dma_start3A_53 = arith.constant 0 : i32
        %dma_start3A_54 = tpu.memref_slice %arg8[%mul3A_48, %dma_start3A_53] : memref<5120x256xf32, #tpu.memory_space<vmem_shared>> -> memref<1000x256xf32, #tpu.memory_space<vmem_shared>>
        tpu.enqueue_dma source(%dma_start3A_54 : memref<1000x256xf32, #tpu.memory_space<vmem_shared>>) target(%dma_start3A_52 : memref<1000x256xf32, #tpu.memory_space<hbm>>) target_semaphore(%run_scoped3A : memref<!tpu.dma_semaphore, #tpu.memory_space<semaphore_mem>>)
        %dma_wait3A = arith.constant 0 : i32
        %dma_wait3A_55 = tpu.memref_slice %arg7[%add3A_51, %dma_wait3A] : memref<10000x256xf32, #tpu.memory_space<hbm>> -> memref<1000x256xf32, #tpu.memory_space<hbm>>
        %dma_wait3A_56 = arith.constant 0 : i32
        %dma_wait3A_57 = tpu.memref_slice %arg8[%mul3A_48, %dma_wait3A_56] : memref<5120x256xf32, #tpu.memory_space<vmem_shared>> -> memref<1000x256xf32, #tpu.memory_space<vmem_shared>>
        tpu.wait_dma2 semaphore(%run_scoped3A : memref<!tpu.dma_semaphore, #tpu.memory_space<semaphore_mem>>) src(%dma_wait3A_57 : memref<1000x256xf32, #tpu.memory_space<vmem_shared>>) dst(%dma_wait3A_55 : memref<1000x256xf32, #tpu.memory_space<hbm>>)
        tpu.yield
      }) : () -> ()
    } else {
    }
    return
  }
}

module attributes {stable_mosaic.version = 14 : i64} {
  func.func @_tc_body(%arg0: i32, %arg1: memref<1000x256xf32, #tpu.memory_space<vmem>>, %arg2: memref<1000x16xf32, #tpu.memory_space<vmem>>, %arg3: memref<1000x256xf32, #tpu.memory_space<vmem>>, %arg4: memref<256x256xf32, #tpu.memory_space<vmem>>, %arg5: memref<256x256xf32, #tpu.memory_space<vmem>>, %arg6: memref<1x256xf32, #tpu.memory_space<vmem>>, %arg7: memref<1000x256xf32, #tpu.memory_space<vmem>>) attributes {dimension_semantics = [#tpu.dimension_semantics<arbitrary>], iteration_bounds = array<i64: 10>, scalar_prefetch = 0 : i64, scratch_operands = 0 : i64, tpu.core_type = #tpu.core_type<tc>, window_params = [{transform_indices = @transform_0, window_bounds = array<i64: 1000, 256>}, {transform_indices = @transform_1, window_bounds = array<i64: 1000, 16>}, {transform_indices = @transform_2, window_bounds = array<i64: 1000, 256>}, {pipeline_mode = #tpu.pipeline_mode<synchronous>, transform_indices = @transform_3, window_bounds = array<i64: 256, 256>}, {pipeline_mode = #tpu.pipeline_mode<synchronous>, transform_indices = @transform_4, window_bounds = array<i64: 256, 256>}, {pipeline_mode = #tpu.pipeline_mode<synchronous>, transform_indices = @transform_5, window_bounds = array<i64: 1, 256>}, {transform_indices = @transform_6, window_bounds = array<i64: 1000, 256>}]} {
    %get3A = arith.constant 0 : index
    %get3A_0 = arith.constant 0 : index
    %get3A_1 = vector.load %arg2[%get3A, %get3A_0] : memref<1000x16xf32, #tpu.memory_space<vmem>>, vector<1000x1xf32>
    %max3A = arith.constant 1.000000e+00 : f32
    %max3A_2 = vector.broadcast %max3A : f32 to vector<1000x1xf32>
    %max3A_3 = arith.maximumf %get3A_1, %max3A_2 : vector<1000x1xf32>
    %div3A = arith.constant 1.000000e+00 : f32
    %div3A_4 = vector.broadcast %div3A : f32 to vector<1000x1xf32>
    %div3A_5 = arith.divf %div3A_4, %max3A_3 : vector<1000x1xf32>
    %get3A_6 = arith.constant 0 : index
    %get3A_7 = arith.constant 0 : index
    %get3A_8 = vector.load %arg1[%get3A_6, %get3A_7] : memref<1000x256xf32, #tpu.memory_space<vmem>>, vector<1000x256xf32>
    %mul3A = vector.broadcast %div3A_5 : vector<1000x1xf32> to vector<1000x256xf32>
    %mul3A_9 = arith.mulf %get3A_8, %mul3A : vector<1000x256xf32>
    %get3A_10 = arith.constant 0 : index
    %get3A_11 = arith.constant 0 : index
    %get3A_12 = vector.load %arg4[%get3A_10, %get3A_11] : memref<256x256xf32, #tpu.memory_space<vmem>>, vector<256x256xf32>
    %dot_general3A = arith.constant dense<0.000000e+00> : vector<1000x256xf32>
    %dot_general3A_13 = tpu.matmul %mul3A_9, %get3A_12, %dot_general3A {dimension_numbers = #tpu.dot_dimension_numbers<[1], [0], [0], [1], [0, 0, 1, 1], [], []>, transpose_lhs_hint = false} : vector<1000x256xf32>, vector<256x256xf32>, vector<1000x256xf32> -> vector<1000x256xf32>
    %get3A_14 = arith.constant 0 : index
    %get3A_15 = arith.constant 0 : index
    %get3A_16 = vector.load %arg3[%get3A_14, %get3A_15] : memref<1000x256xf32, #tpu.memory_space<vmem>>, vector<1000x256xf32>
    %get3A_17 = arith.constant 0 : index
    %get3A_18 = arith.constant 0 : index
    %get3A_19 = vector.load %arg5[%get3A_17, %get3A_18] : memref<256x256xf32, #tpu.memory_space<vmem>>, vector<256x256xf32>
    %dot_general3A_20 = arith.constant dense<0.000000e+00> : vector<1000x256xf32>
    %dot_general3A_21 = tpu.matmul %get3A_16, %get3A_19, %dot_general3A_20 {dimension_numbers = #tpu.dot_dimension_numbers<[1], [0], [0], [1], [0, 0, 1, 1], [], []>, transpose_lhs_hint = false} : vector<1000x256xf32>, vector<256x256xf32>, vector<1000x256xf32> -> vector<1000x256xf32>
    %add3A = arith.addf %dot_general3A_13, %dot_general3A_21 : vector<1000x256xf32>
    %get3A_22 = arith.constant 0 : index
    %get3A_23 = arith.constant 0 : index
    %get3A_24 = vector.load %arg6[%get3A_22, %get3A_23] : memref<1x256xf32, #tpu.memory_space<vmem>>, vector<1x256xf32>
    %add3A_25 = vector.broadcast %get3A_24 : vector<1x256xf32> to vector<1000x256xf32>
    %add3A_26 = arith.addf %add3A, %add3A_25 : vector<1000x256xf32>
    %max3A_27 = arith.constant 0.000000e+00 : f32
    %max3A_28 = vector.broadcast %max3A_27 : f32 to vector<1000x256xf32>
    %max3A_29 = arith.maximumf %add3A_26, %max3A_28 : vector<1000x256xf32>
    %swap3A = arith.constant 0 : index
    %swap3A_30 = arith.constant 0 : index
    %swap3A_31 = vector.load %arg7[%swap3A, %swap3A_30] : memref<1000x256xf32, #tpu.memory_space<vmem>>, vector<1000x256xf32>
    tpu.vector_store %arg7[%swap3A, %swap3A_30], %max3A_29 {strides = array<i32>} : memref<1000x256xf32, #tpu.memory_space<vmem>>, vector<1000x256xf32>,
    return
  }
  func.func @transform_0(%arg0: i32) -> (i32, i32) {
    %c0_i32 = arith.constant 0 : i32
    %c0_i32_0 = arith.constant 0 : i32
    return %arg0, %c0_i32 : i32, i32
  }
  func.func @transform_1(%arg0: i32) -> (i32, i32) {
    %c0_i32 = arith.constant 0 : i32
    %c0_i32_0 = arith.constant 0 : i32
    return %arg0, %c0_i32 : i32, i32
  }
  func.func @transform_2(%arg0: i32) -> (i32, i32) {
    %c0_i32 = arith.constant 0 : i32
    %c0_i32_0 = arith.constant 0 : i32
    return %arg0, %c0_i32 : i32, i32
  }
  func.func @transform_3(%arg0: i32) -> (i32, i32) {
    %c0_i32 = arith.constant 0 : i32
    %c0_i32_0 = arith.constant 0 : i32
    %c0_i32_1 = arith.constant 0 : i32
    return %c0_i32, %c0_i32_0 : i32, i32
  }
  func.func @transform_4(%arg0: i32) -> (i32, i32) {
    %c0_i32 = arith.constant 0 : i32
    %c0_i32_0 = arith.constant 0 : i32
    %c0_i32_1 = arith.constant 0 : i32
    return %c0_i32, %c0_i32_0 : i32, i32
  }
  func.func @transform_5(%arg0: i32) -> (i32, i32) {
    %c0_i32 = arith.constant 0 : i32
    %c0_i32_0 = arith.constant 0 : i32
    %c0_i32_1 = arith.constant 0 : i32
    return %c0_i32, %c0_i32_0 : i32, i32
  }
  func.func @transform_6(%arg0: i32) -> (i32, i32) {
    %c0_i32 = arith.constant 0 : i32
    %c0_i32_0 = arith.constant 0 : i32
    return %arg0, %c0_i32 : i32, i32
  }
}

module attributes {stable_mosaic.version = 14 : i64} {
  func.func @_tc_body(%arg0: i32, %arg1: memref<1000x256xf32, #tpu.memory_space<vmem>>, %arg2: memref<1000x16xf32, #tpu.memory_space<vmem>>, %arg3: memref<1000x256xf32, #tpu.memory_space<vmem>>, %arg4: memref<256x256xf32, #tpu.memory_space<vmem>>, %arg5: memref<256x256xf32, #tpu.memory_space<vmem>>, %arg6: memref<1x256xf32, #tpu.memory_space<vmem>>, %arg7: memref<1000x256xf32, #tpu.memory_space<vmem>>, %arg8: memref<1000x256xf32, #tpu.memory_space<vmem>>) attributes {dimension_semantics = [#tpu.dimension_semantics<arbitrary>], iteration_bounds = array<i64: 10>, scalar_prefetch = 0 : i64, scratch_operands = 0 : i64, tpu.core_type = #tpu.core_type<tc>, window_params = [{transform_indices = @transform_0, window_bounds = array<i64: 1000, 256>}, {transform_indices = @transform_1, window_bounds = array<i64: 1000, 16>}, {transform_indices = @transform_2, window_bounds = array<i64: 1000, 256>}, {pipeline_mode = #tpu.pipeline_mode<synchronous>, transform_indices = @transform_3, window_bounds = array<i64: 256, 256>}, {pipeline_mode = #tpu.pipeline_mode<synchronous>, transform_indices = @transform_4, window_bounds = array<i64: 256, 256>}, {pipeline_mode = #tpu.pipeline_mode<synchronous>, transform_indices = @transform_5, window_bounds = array<i64: 1, 256>}, {transform_indices = @transform_6, window_bounds = array<i64: 1000, 256>}, {transform_indices = @transform_7, window_bounds = array<i64: 1000, 256>}]} {
    %get3A = arith.constant 0 : index
    %get3A_0 = arith.constant 0 : index
    %get3A_1 = vector.load %arg2[%get3A, %get3A_0] : memref<1000x16xf32, #tpu.memory_space<vmem>>, vector<1000x1xf32>
    %max3A = arith.constant 1.000000e+00 : f32
    %max3A_2 = vector.broadcast %max3A : f32 to vector<1000x1xf32>
    %max3A_3 = arith.maximumf %get3A_1, %max3A_2 : vector<1000x1xf32>
    %div3A = arith.constant 1.000000e+00 : f32
    %div3A_4 = vector.broadcast %div3A : f32 to vector<1000x1xf32>
    %div3A_5 = arith.divf %div3A_4, %max3A_3 : vector<1000x1xf32>
    %get3A_6 = arith.constant 0 : index
    %get3A_7 = arith.constant 0 : index
    %get3A_8 = vector.load %arg1[%get3A_6, %get3A_7] : memref<1000x256xf32, #tpu.memory_space<vmem>>, vector<1000x256xf32>
    %mul3A = vector.broadcast %div3A_5 : vector<1000x1xf32> to vector<1000x256xf32>
    %mul3A_9 = arith.mulf %get3A_8, %mul3A : vector<1000x256xf32>
    %get3A_10 = arith.constant 0 : index
    %get3A_11 = arith.constant 0 : index
    %get3A_12 = vector.load %arg4[%get3A_10, %get3A_11] : memref<256x256xf32, #tpu.memory_space<vmem>>, vector<256x256xf32>
    %dot_general3A = arith.constant dense<0.000000e+00> : vector<1000x256xf32>
    %dot_general3A_13 = tpu.matmul %mul3A_9, %get3A_12, %dot_general3A {dimension_numbers = #tpu.dot_dimension_numbers<[1], [0], [0], [1], [0, 0, 1, 1], [], []>, transpose_lhs_hint = false} : vector<1000x256xf32>, vector<256x256xf32>, vector<1000x256xf32> -> vector<1000x256xf32>
    %get3A_14 = arith.constant 0 : index
    %get3A_15 = arith.constant 0 : index
    %get3A_16 = vector.load %arg3[%get3A_14, %get3A_15] : memref<1000x256xf32, #tpu.memory_space<vmem>>, vector<1000x256xf32>
    %get3A_17 = arith.constant 0 : index
    %get3A_18 = arith.constant 0 : index
    %get3A_19 = vector.load %arg5[%get3A_17, %get3A_18] : memref<256x256xf32, #tpu.memory_space<vmem>>, vector<256x256xf32>
    %dot_general3A_20 = arith.constant dense<0.000000e+00> : vector<1000x256xf32>
    %dot_general3A_21 = tpu.matmul %get3A_16, %get3A_19, %dot_general3A_20 {dimension_numbers = #tpu.dot_dimension_numbers<[1], [0], [0], [1], [0, 0, 1, 1], [], []>, transpose_lhs_hint = false} : vector<1000x256xf32>, vector<256x256xf32>, vector<1000x256xf32> -> vector<1000x256xf32>
    %add3A = arith.addf %dot_general3A_13, %dot_general3A_21 : vector<1000x256xf32>
    %get3A_22 = arith.constant 0 : index
    %get3A_23 = arith.constant 0 : index
    %get3A_24 = vector.load %arg6[%get3A_22, %get3A_23] : memref<1x256xf32, #tpu.memory_space<vmem>>, vector<1x256xf32>
    %add3A_25 = vector.broadcast %get3A_24 : vector<1x256xf32> to vector<1000x256xf32>
    %add3A_26 = arith.addf %add3A, %add3A_25 : vector<1000x256xf32>
    %get3A_27 = arith.constant 0 : index
    %get3A_28 = arith.constant 0 : index
    %get3A_29 = vector.load %arg7[%get3A_27, %get3A_28] : memref<1000x256xf32, #tpu.memory_space<vmem>>, vector<1000x256xf32>
    %add3A_30 = arith.addf %add3A_26, %get3A_29 : vector<1000x256xf32>
    %swap3A = arith.constant 0 : index
    %swap3A_31 = arith.constant 0 : index
    %swap3A_32 = vector.load %arg8[%swap3A, %swap3A_31] : memref<1000x256xf32, #tpu.memory_space<vmem>>, vector<1000x256xf32>
    tpu.vector_store %arg8[%swap3A, %swap3A_31], %add3A_30 {strides = array<i32>} : memref<1000x256xf32, #tpu.memory_space<vmem>>, vector<1000x256xf32>,
    return
  }
  func.func @transform_0(%arg0: i32) -> (i32, i32) {
    %c0_i32 = arith.constant 0 : i32
    %c0_i32_0 = arith.constant 0 : i32
    return %arg0, %c0_i32 : i32, i32
  }
  func.func @transform_1(%arg0: i32) -> (i32, i32) {
    %c0_i32 = arith.constant 0 : i32
    %c0_i32_0 = arith.constant 0 : i32
    return %arg0, %c0_i32 : i32, i32
  }
  func.func @transform_2(%arg0: i32) -> (i32, i32) {
    %c0_i32 = arith.constant 0 : i32
    %c0_i32_0 = arith.constant 0 : i32
    return %arg0, %c0_i32 : i32, i32
  }
  func.func @transform_3(%arg0: i32) -> (i32, i32) {
    %c0_i32 = arith.constant 0 : i32
    %c0_i32_0 = arith.constant 0 : i32
    %c0_i32_1 = arith.constant 0 : i32
    return %c0_i32, %c0_i32_0 : i32, i32
  }
  func.func @transform_4(%arg0: i32) -> (i32, i32) {
    %c0_i32 = arith.constant 0 : i32
    %c0_i32_0 = arith.constant 0 : i32
    %c0_i32_1 = arith.constant 0 : i32
    return %c0_i32, %c0_i32_0 : i32, i32
  }
  func.func @transform_5(%arg0: i32) -> (i32, i32) {
    %c0_i32 = arith.constant 0 : i32
    %c0_i32_0 = arith.constant 0 : i32
    %c0_i32_1 = arith.constant 0 : i32
    return %c0_i32, %c0_i32_0 : i32, i32
  }
  func.func @transform_6(%arg0: i32) -> (i32, i32) {
    %c0_i32 = arith.constant 0 : i32
    %c0_i32_0 = arith.constant 0 : i32
    return %arg0, %c0_i32 : i32, i32
  }
  func.func @transform_7(%arg0: i32) -> (i32, i32) {
    %c0_i32 = arith.constant 0 : i32
    %c0_i32_0 = arith.constant 0 : i32
    return %arg0, %c0_i32 : i32, i32
  }
}

</mosaic_0001>

<sc_bundles>
// kernel: kernel.6.cloned.1.call-start
scs
__scs_entry_jumppad:
0x0: {  	(pc) =	sbr.rel $0x88, $3  }
0x1: {  	(tag) =	ssettag $0x0;
	lr =	simm.s32 $0x1  }
0x2: {  	[smem:$0x3F99] =	sst lr;
	_ =	strace $0xD0000000  }
0x3: {  	_ = 	snop  }
0x4: {  	_ = 	snop  }
0x5: {  	_ = 	snop  }
0x6: {  	_ = 	snop  }
0x7: {  	_ = 	snop  }
__scs_overlays_trampoline_lowered:
0x8: {  	[smem:$0x3FA8] =	sst s0  }
0x9: {  	[smem:$0x3FA9] =	sst s1  }
0xa: {  	[smem:$0x3FAA] =	sst s2  }
0xb: {  	[smem:$0x3FAB] =	sst s3  }
0xc: {  	[smem:$0x3FAC] =	sst s4  }
0xd: {  	[smem:$0x3FAD] =	sst s5  }
0xe: {  	[smem:$0x3FAE] =	sst s6  }
0xf: {  	[smem:$0x3FAF] =	sst s7  }
0x10: {  	[smem:$0x3FB0] =	sst s8  }
0x11: {  	[smem:$0x3FB1] =	sst s9;
	s0 =	simm.s32 @!p0 $0x0  }
0x12: {  	s1 =	sld [smem:$0x3F97];
	s0 =	simm.s32 @p0 $0x1  }
0x13: {  	[smem:$0x3FB2] =	sst s0;
	s0 =	simm.s32 @!p1 $0x0  }
0x14: {  	s2 =	sld [smem:$0x3F96];
	s0 =	simm.s32 @p1 $0x1  }
0x15: {  	[smem:$0x3FB3] =	sst s0;
	s0 =	simm.s32 @!p2 $0x0  }
0x16: {  	s3 =	sld [smem:$0x3FDB];
	s0 =	simm.s32 @p2 $0x1  }
0x17: {  	s4 =	simm.s32 $0x1BF5;
	[smem:$0x3FB5] =	sst s0  }
0x18: {  	s0 =	sld [smem:$0x3F98];
	_ =	swait.ge [sflag:s4], $0x0  }
0x19: {  	s7 =	sld [smem:$0x3F99]  }
0x1a: {  	s8 =	sadd.s32 $0xFFFFE003, lr  }
0x1b: {  	s9 =	sadd.s32 $0xFFFFFEF7, lr;
	s5 =	simm.s32 $0xFFFFFFFF;
	p2 =	slt.u32 s8, $0xFFFFF086  }
0x1c: {  	p1 =	slt.u32 s9, $0xF7A;
	s5 =	simm.s32 @!p2 $0x0  }
0x1d: {  	s5 =	simm.s32 @p1 $0x1;
	p0 =	seq.s32 s7, s2  }
0x1e: {  	s7 =	smul.u32 @!p0 $0xF7A, s2;
	p2 =	seq.s32 @!p0 s5, $0x0  }
0x1f: {  	s9 =	smul.u32 $0xF7A, s1;
	s8 =	simm.s32 @!p0 $0x1BF5;
	p2 =	por !p2, p0  }
0x20: {  	[sflag:s8] =	ssyncset.s32 @!p0 $0xFFFFF086;
	s6 =	sadd.s32 @!p0 s3, s7;
	s7 =	simm.s32 @!p0 $0x108  }
0x21: {  	s3 =	sadd.s32 s3, s9;
	s6 =	sadd.s32 @!p0 $0x88, s6;
	s7 =	simm.s32 @p2 $0x1082  }
0x22: {  	[simem:s7], [sflag:s8] =	dma.local @!p0 [hbm:s6], $0xF7A  }
0x23: {  	s9 =	sor.u32 $0xD0000000, s2;
	s6 =	simm.s32 $0x108;
	_ =	swait.ge @!p0 [sflag:s8], $0x0  }
0x24: {  	s3 =	sadd.s32 $0x88, s3;
	s6 =	simm.s32 @!p1 $0x1082;
	[sflag:s4] =	ssyncset.s32 $0xFFFFF086  }
0x25: {  	[simem:s6], [sflag:s4] =	dma.local [hbm:s3], $0xF7A  }
0x26: {  	[smem:$0x3F99] =	sst s1;
	(tag) =	ssettag s2;
	_ =	strace s9  }
0x27: {  	s1 =	sld [smem:$0x3FA9]  }
0x28: {  	s2 =	sld [smem:$0x3FAA]  }
0x29: {  	s4 =	sld [smem:$0x3FAC]  }
0x2a: {  	p0 =	seq.s32 s5, $0x0;
	s5 =	sld [smem:$0x3FAD]  }
0x2b: {  	s6 =	sld [smem:$0x3FAE]  }
0x2c: {  	s7 =	sld [smem:$0x3FAF]  }
0x2d: {  	s3 =	simm.s32 $0x108;
	s8 =	sld [smem:$0x3FB0]  }
0x2e: {  	s3 =	simm.s32 @!p0 $0x1082;
	s9 =	sld [smem:$0x3FB1]  }
0x2f: {  	lr =	sadd.s32 s0, s3;
	s0 =	sld [smem:$0x3FA8]  }
0x30: {  	s3 =	sld [smem:$0x3FAB]  }
0x31: {  	[smem:$0x3FB4] =	sst s10  }
0x32: {  	s10 =	sld [smem:$0x3FB2];
	_ =	sdelay $0x3  }
0x33: {  	p0 =	seq.s32 s10, $0x1;
	s10 =	sld [smem:$0x3FB4];
	_ =	sdelay $0x3  }
0x34: {  	[smem:$0x3FB4] =	sst s10  }
0x35: {  	s10 =	sld [smem:$0x3FB3];
	_ =	sdelay $0x3  }
0x36: {  	p1 =	seq.s32 s10, $0x1;
	s10 =	sld [smem:$0x3FB4];
	_ =	sdelay $0x3  }
0x37: {  	[smem:$0x3FB4] =	sst s10  }
0x38: {  	s10 =	sld [smem:$0x3FB5]  }
0x39: {  	_ = 	snop;
	(pc) =	sbr.ind lr, $3  }
0x3a: {  	_ = 	snop  }
0x3b: {  	_ = 	snop  }
0x3c: {  	p2 =	seq.s32 s10, $0x1;
	s10 =	sld [smem:$0x3FB4]  }
0x3d: {  	_ =	shalt  }
0x3e: {  	_ =	shalt  }
0x3f: {  	_ =	shalt  }
0x40: {  	_ =	shalt  }
0x41: {  	_ =	shalt  }
0x42: {  	_ =	shalt  }
0x43: {  	_ =	shalt  }
0x44: {  	_ =	shalt  }
0x45: {  	_ =	shalt  }
0x46: {  	_ =	shalt  }
0x47: {  	_ =	shalt  }
0x48: {  	_ =	shalt  }
0x49: {  	_ =	shalt  }
0x4a: {  	_ =	shalt  }
0x4b: {  	_ =	shalt  }
0x4c: {  	_ =	shalt  }
0x4d: {  	_ =	shalt  }
0x4e: {  	_ =	shalt  }
0x4f: {  	_ =	shalt  }
0x50: {  	_ =	shalt  }
0x51: {  	_ =	shalt  }
0x52: {  	_ =	shalt  }
0x53: {  	_ =	shalt  }
0x54: {  	_ =	shalt  }
0x55: {  	_ =	shalt  }
0x56: {  	_ =	shalt  }
0x57: {  	_ =	shalt  }
0x58: {  	_ =	shalt  }
0x59: {  	_ =	shalt  }
0x5a: {  	_ =	shalt  }
0x5b: {  	_ =	shalt  }
0x5c: {  	_ =	shalt  }
0x5d: {  	_ =	shalt  }
0x5e: {  	_ =	shalt  }
0x5f: {  	_ =	shalt  }
0x60: {  	_ =	shalt  }
0x61: {  	_ =	shalt  }
0x62: {  	_ =	shalt  }
0x63: {  	_ =	shalt  }
0x64: {  	_ =	shalt  }
0x65: {  	_ =	shalt  }
0x66: {  	_ =	shalt  }
0x67: {  	_ =	shalt  }
0x68: {  	_ =	shalt  }
0x69: {  	_ =	shalt  }
0x6a: {  	_ =	shalt  }
0x6b: {  	_ =	shalt  }
0x6c: {  	_ =	shalt  }
0x6d: {  	_ =	shalt  }
0x6e: {  	_ =	shalt  }
0x6f: {  	_ =	shalt  }
0x70: {  	_ =	shalt  }
0x71: {  	_ =	shalt  }
0x72: {  	_ =	shalt  }
0x73: {  	_ =	shalt  }
0x74: {  	_ =	shalt  }
0x75: {  	_ =	shalt  }
0x76: {  	_ =	shalt  }
0x77: {  	_ =	shalt  }
0x78: {  	_ =	shalt  }
0x79: {  	_ =	shalt  }
0x7a: {  	_ =	shalt  }
0x7b: {  	_ =	shalt  }
0x7c: {  	_ =	shalt  }
0x7d: {  	_ =	shalt  }
0x7e: {  	_ =	shalt  }
0x7f: {  	_ =	shalt  }
0x80: {  	_ =	shalt  }
0x81: {  	_ =	shalt  }
0x82: {  	_ =	shalt  }
0x83: {  	_ =	shalt  }
0x84: {  	_ =	shalt  }
0x85: {  	_ =	shalt  }
0x86: {  	_ =	shalt  }
0x87: {  	_ =	shalt  }
.Lfunc_end0:
.L_simem_size_0:
called_computation_lowered:
.L_overlay_start_0:
0x88: {  	s2 =	sld [smem:$0x3FD9]  }
0x89: {  	s3 =	sld [smem:$0x3FFE];
	_ =	sdelay $0x1  }
0x8a: {  	s1 =	srdreg.scid  }
0x8b: {  	s0 =	sand.u32 $0x1, s1  }
0x8c: {  	s17 =	sshll.u32 s0, $0xA;
	s2 =	sadd.s32 s3, s2  }
0x8d: {  	s2 =	sadd.s32 s2, s17  }
0x8e: {  	[smem:$0x3FC0] =	sst s2  }
0x8f: {  	_ = 	snop  }
0x90: {  	s2 =	sld [smem:$0x3FD0];
	(tm) =	ssettm $0x1  }
0x91: {  	s18 =	sld [smem:$0x3FFB];
	_ =	sdelay $0x3  }
0x92: {  	_ =	strace s18  }
0x93: {  	s3 =	sld [smem:$0x3FFC];
	_ =	sdelay $0x3  }
0x94: {  	_ =	strace s3  }
0x95: {  	s3 =	sld [smem:$0x3FFD];
	_ =	sdelay $0x3  }
0x96: {  	_ =	strace s3  }
0x97: {  	_ =	strace $0x8FFFFFFF  }
0x98: {  	s19 =	sld [smem:$0x3FDB];
	_ =	sdelay $0x1  }
0x99: {  	s4 =	simm.s32 $_scs_section_size  }
0x9a: {  	s5 =	simm.s32 $_size__tile_overlayer_lowered;
	s6 =	simm.s32 $_tile_overlayer_lowered  }
0x9b: {  	s22 =	simm.s32 $0x1BFF;
	s21 =	sshll.u32 s6, $0x1;
	s3 =	sadd.s32 s4, s19  }
0x9c: {  	s7 =	simm.s32 $0x0;
	s20 =	sshll.u32 s5, $0x1;
	s5 =	sadd.s32 s21, s3  }
0x9d: {  	[timem:s7], [sflag:s22] =	dma.local [hbm:s5], s20  }
0x9e: {  	_ =	swait.ge [sflag:s22], s20  }
0x9f: {  	s4 =	ssub.s32 $0x0, s20;
	[sflag:s22] =	ssyncset.done $0x0  }
0xa0: {  	[sflag:s22] =	ssyncadd.s32 s4;
	_ =	sdelay $0x1  }
0xa1: {  	s23 =	simm.s32 $0x1B8B  }
0xa2: {  	_ =	swait.ge [sflag:s23], $0x1  }
0xa3: {  	[sflag:s23] =	ssyncset.done $0x0  }
0xa4: {  	s25 =	simm.s32 $0x1B8E;
	s24 =	sld [smem:$0x3FFE];
	[sflag:s23] =	ssyncadd.s32 $0xFFFFFFFF  }
0xa5: {  	s26 =	simm.s32 $execute0_lowered;
	[smem:$0x3FD2] =	sst s25  }
0xa6: {  	s5 =	sshll.u32 s26, $0x1;
	_ =	strace $0x80000046;
	[dreg:$0x1] =	wrdreg $0xFFFFFFFF  }
0xa7: {  	s28 =	simm.s32 $_size_execute0_lowered;
	s3 =	sadd.s32 s3, s5;
	[dreg:$0x0] =	wrdreg $0x0  }
0xa8: {  	s5 =	sshll.u32 s28, $0x1;
	[dreg:$0x2] =	wrdreg s3  }
0xa9: {  	[dreg:$0x3] =	wrdreg s5  }
0xaa: {  	[dreg:$0x4] =	wrdreg $0xC0  }
0xab: {  	_ =	task [dreg:s7], $0x5FFFF  }
0xac: {  	[dreg:$0x1] =	wrdreg $0xFFFFFFFF  }
0xad: {  	[dreg:$0x0] =	wrdreg $0x60  }
0xae: {  	[dreg:$0x2] =	wrdreg s2  }
0xaf: {  	[dreg:$0x3] =	wrdreg s24  }
0xb0: {  	[dreg:$0x4] =	wrdreg $0x0  }
0xb1: {  	[dreg:$0x5] =	wrdreg $0x140000  }
0xb2: {  	[dreg:$0x6] =	wrdreg $0x9  }
0xb3: {  	_ =	task.clear_ibuf [dreg:s7], $0x7FFFF;
	_ =	strace $0x90000046  }
0xb4: {  	s29 =	simm.s32 $0x9;
	_ =	strace $0x80000048  }
0xb5: {  	_ =	swait.ge [sflag:s29], $0x1  }
0xb6: {  	[sflag:s29] =	ssyncadd.s32 $0xFFFFFFFF  }
0xb7: {  	_ =	strace $0x90000048  }
0xb8: {  	_ =	sfence  }
0xb9: {  	s30 =	sld [smem:$0x0];
	_ =	sdelay $0x2  }
0xba: {  	s31 =	sshll.u32 s1, $0xD;
	s1 =	sshrl.u32 s1, $0x2  }
0xbb: {  	s3 =	sand.u32 $0x4000, s31;
	s1 =	sadd.s32 s1, s30  }
0xbc: {  	s0 =	sor.u32 s3, s0;
	s1 =	sshll.u32 s1, $0x11  }
0xbd: {  	s0 =	sor.u32 s1, s0  }
0xbe: {  	s0 =	sadd.s32 $0x8F2B, s0  }
0xbf: {  	[sflag:s0] =	ssyncadd.remote.s32 $0x1  }
0xc0: {  	_ =	sfence.sel $0xFFFF  }
0xc1: {  	[dreg:$0x0] =	wrdreg $0xFFFFFFFF;
	(pc) =	sbr.abs _section_cstart, $3  }
0xc2: {  	[dreg:$0x1] =	wrdreg $0xFFFFFFFF  }
0xc3: {  	_ =	task.clear_ibuf [dreg:s7], $0x2FFFF;
	_ =	strace $0x9FFFFFFF  }
0xc4: {  	(tm) =	ssettm $0x7FFFFFFF  }
0xc5: {  	_ =	shalt  }
tec
execute0_lowered:
.L_overlay_start_1:
0x0: {  	(tag) =	ssettag $0x1  }
0x1: {  	s1 =	rddreg [dreg:$0x0]  }
0x2: {  	s0 =	rddreg [dreg:$0x1]  }
0x3: {  	s2 =	rddreg [dreg:$0x2]  }
0x4: {  	s3 =	rddreg [dreg:$0x3]  }
0x5: {  	s4 =	srdreg.scid;
	s5 =	simm.s32 $0x0;
	s8 =	stileid.u32  }
0x6: {  	s18 =	simm.s32 $0x15400;
	s19 =	simm.s32 $0x15590;
	s10 =	smul.u32 $0x3E8, s8  }
0x7: {  	s20 =	simm.s32 $0x15720;
	s21 =	simm.s32 $0x17F20;
	s12 =	smul.u32 $0x50000, s8  }
0x8: {  	s28 =	simm.s32 $0x1C720;
	s4 =	sand.u32 $0x1, s4;
	s25 =	smul.u32 $0x5000, s8  }
0x9: {  	[smem:$0x7FF] =	sst s5;
	s6 =	sadd.s32 $0x6200, s0;
	s14 =	smul.u32 $0xFA000, s8  }
0xa: {  	s7 =	sadd.s32 $0x1200, s0;
	s9 =	sadd.s32 $0xB200, s0;
	s16 =	smul.u32 $0xFA00, s8  }
0xb: {  	s26 =	sshll.u32 s8, $0x6;
	p0 =	sgt.u32 s8, $0x4;
	s22 =	smul.u32 $0x1388, s4  }
0xc: {  	_ =	strace $0x80000047;
	[dreg:$0x5] =	wrdreg s9;
	s4 =	ssub.s32 $0x2, s4  }
0xd: {  	s9 =	sadd.s32 $0xDA00, s0;
	s23 =	sshrl.u32 s4, $0x1;
	s24 =	sshrl.u32 s12, $0x2  }
0xe: {  	s29 =	sshrl.u32 s25, $0x2;
	s30 =	sshrl.u32 s14, $0x2;
	s31 =	sshrl.u32 s16, $0x2  }
0xf: {  	s16 =	simm.s32 $0x2;
	s10 =	sadd.s32 s10, s22;
	s4 =	ssub.s32 s4, s23  }
0x10: {  	s15 =	sadd.s32 s24, s2;
	s17 =	sadd.s32 s29, s3;
	s24 =	sadd.s32 s30, s2  }
0x11: {  	v0 =	vmov s22;
	s22 =	simm.s32 $0x1;
	s23 =	simm.s32 $0x20;
	s11 =	sshll.u32 s10, $0x5  }
.Ltmp0:
0x12: {  	s10 =	sshll.u32 s10, $0x1;
	s14 =	smax.u32 s4, $0x1;
	(pc) =	sbr.rel .LBB2_1-.Ltmp0, $4  }
0x13: {  	s15 =	sshrl.u32 s15, $0x3;
	s17 =	sshrl.u32 s17, $0x3;
	s24 =	sshrl.u32 @!p0 s24, $0x3  }
0x14: {  	s13 =	sadd.s32 s11, s0;
	s0 =	sadd.s32 s10, s0;
	s10 =	sor.u32 $0x1C02, s26  }
0x15: {  	s12 =	sadd.s32 $0x12E00, s13;
	s13 =	sadd.s32 $0xDE00, s0;
	s0 =	sadd.s32 s31, s3  }
0x16: {  	v1 =	vimm.f32 $1.000000000e+00;
	v2 =	vimm.s32 $0x0;
	v3 =	vimm.s32 $0x1388;
	s11 =	smul.u32 $0x2710, s8;
	s26 =	simm.s32 $0x1A720;
	s25 =	sshrl.u32 @!p0 s0, $0x3  }
.LBB2_10:
0x17: {  	[sflag:s16] =	ssyncadd.s32 $0xFFFFFE00  }
.LBB2_11:
0x18: {  	[bflag:$0x0] =	sbarrier.arrive $0xFFFF;
	s0 =	simm.s32 @!p0 $0x2  }
0x19: {  	[hbm:s12], [sflag:s10] =	dma.local @!p0 [spmem:s24], $0x7D00  }
0x1a: {  	s5 =	sadd.s32 $0x1, s5;
	_ =	swait.ge @!p0 [sflag:s0], $0x7D00  }
0x1b: {  	p1 =	sne.s32 s5, s14;
	[sflag:s0] =	ssyncset.done @!p0 $0x0  }
.Ltmp1:
0x1c: {  	[sflag:s0] =	ssyncadd.s32 @!p0 $0xFFFF8300;
	(pc) =	sbr.rel @!p1 .LBB2_12-.Ltmp1, $4  }
0x1d: {  	[hbm:s13], [sflag:s10] =	dma.local @!p0 [spmem:s25], $0x7D0  }
0x1e: {  	_ =	swait.ge @!p0 [sflag:s0], $0x7D0  }
0x1f: {  	[sflag:s0] =	ssyncset.done @!p0 $0x0  }
0x20: {  	[sflag:s0] =	ssyncadd.s32 @!p0 $0xFFFFF830  }
.LBB2_1:
0x21: {  	s0 =	rddreg [dreg:$0x5]  }
0x22: {  	[spmem:s15], [sflag:s10] =	dma.local [hbm:s0], $0x2800  }
0x23: {  	_ =	swait.ge [sflag:s16], $0x2800  }
0x24: {  	[sflag:s16] =	ssyncset.done $0x0  }
0x25: {  	[sflag:s16] =	ssyncadd.s32 $0xFFFFD800  }
0x26: {  	[spmem:s17], [sflag:s10] =	dma.local [hbm:s9], $0x280  }
0x27: {  	_ =	swait.ge [sflag:s16], $0x280  }
0x28: {  	[sflag:s16] =	ssyncset.done $0x0  }
0x29: {  	[sflag:s16] =	ssyncadd.s32 $0xFFFFFD80  }
0x2a: {  	[tilespmem:$0x1C720] =	vst v1  }
0x2b: {  	[tilespmem:$0x1C730] =	vst v1  }
0x2c: {  	[tilespmem:$0x1C740] =	vst v1  }
0x2d: {  	[tilespmem:$0x1C750] =	vst v1  }
0x2e: {  	[tilespmem:$0x1C760] =	vst v1  }
0x2f: {  	[tilespmem:$0x1C770] =	vst v1  }
0x30: {  	[tilespmem:$0x1C780] =	vst v1  }
0x31: {  	[tilespmem:$0x1C790] =	vst v1  }
0x32: {  	[tilespmem:$0x1C7A0] =	vst v1  }
0x33: {  	[tilespmem:$0x1C7B0] =	vst v1  }
0x34: {  	[tilespmem:$0x1C7C0] =	vst v1  }
0x35: {  	[tilespmem:$0x1C7D0] =	vst v1  }
0x36: {  	[tilespmem:$0x1C7E0] =	vst v1  }
0x37: {  	[tilespmem:$0x1C7F0] =	vst v1  }
0x38: {  	[tilespmem:$0x1C800] =	vst v1  }
0x39: {  	[tilespmem:$0x1C810] =	vst v1  }
0x3a: {  	[tilespmem:$0x1C820] =	vst v1  }
0x3b: {  	[tilespmem:$0x1C830] =	vst v1  }
0x3c: {  	[tilespmem:$0x1C840] =	vst v1  }
0x3d: {  	[tilespmem:$0x1C850] =	vst v1  }
0x3e: {  	[tilespmem:$0x1C860] =	vst v1  }
0x3f: {  	[tilespmem:$0x1C870] =	vst v1  }
0x40: {  	[tilespmem:$0x1C880] =	vst v1  }
0x41: {  	[tilespmem:$0x1C890] =	vst v1  }
0x42: {  	[tilespmem:$0x1C8A0] =	vst v1  }
0x43: {  	[tilespmem:$0x1C8B0] =	vst v1  }
0x44: {  	[tilespmem:$0x1C8C0] =	vst v1  }
0x45: {  	[tilespmem:$0x1C8D0] =	vst v1  }
0x46: {  	[tilespmem:$0x1C8E0] =	vst v1  }
0x47: {  	[tilespmem:$0x1C8F0] =	vst v1  }
0x48: {  	[tilespmem:$0x1C900] =	vst v1  }
0x49: {  	s4 =	simm.s32 $0x0;
	s0 =	simm.s32 $0x40;
	[tilespmem:$0x1C910] =	vst v1  }
.LBB2_2:
0x4a: {  	p1 =	sne.s32 s0, $0x9FC0;
	[tilespmem:s4+$0x15720] =	vst v2;
	s29 =	smov.u32 s0;
	s0 =	sadd.s32 $0x40, s0  }
.Ltmp2:
0x4b: {  	[tilespmem:s4+$0x17F20] =	vst v3;
	(pc) =	sbr.rel @p1 .LBB2_2-.Ltmp2, $2  }
0x4c: {  	_ =	sdelay $0x2  }
0x4d: {  	s4 =	sshra.s32 s29, $0x2  }
0x4e: {  	[tilespmem:s4+$0x15720] =	vst v2  }
0x4f: {  	s29 =	simm.s32 $0x0;
	[tilespmem:s4+$0x17F20] =	vst v3;
	s31 =	simm.s32 $0x0;
	s30 =	simm.s32 $0x0  }
.LBB2_4:
0x50: {  	s0 =	smul.u32 $0x190, s30;
	_ =	sdelay $0x1  }
0x51: {  	s0 =	sadd.s32 s11, s0  }
0x52: {  	s0 =	sshrl.u32 s0, $0x3  }
0x53: {  	s4 =	sadd.s32 s6, s0  }
0x54: {  	[tilespmem:s18], [sflag:$0x2] =	stream.linear.gather [hbm4b:s4+s29], $0x190, $0x38;
	[tilespmem:$0x1C920] =	vst v63  }
0x55: {  	_ =	swait.ge [sflag:s16], $0x190  }
0x56: {  	[sflag:s16] =	ssyncset.done $0x0  }
0x57: {  	s0 =	sadd.s32 s7, s0;
	[sflag:s16] =	ssyncadd.s32 $0xFFFFFE70  }
0x58: {  	[tilespmem:s19], [sflag:$0x2] =	stream.linear.gather [hbm4b:s0+s29], $0x190, $0x38;
	[tilespmem:$0x1C920] =	vst v63  }
0x59: {  	_ =	swait.ge [sflag:s16], $0x190  }
0x5a: {  	[sflag:s16] =	ssyncset.done $0x0  }
0x5b: {  	s8 =	simm.s32 $0x0;
	[sflag:s16] =	ssyncadd.s32 $0xFFFFFE70  }
0x5c: {  	v4 =	vld [tilespmem:s8+$0x15590];
	_ =	sdelay $0x4  }
0x5d: {  	v4 =	vsub.s32 v4, v0  }
0x5e: {  	vm0 =	vlt.u32 v4, $0x1388  }
0x5f: {  	v5 =	vsel vm0, $0x1, v2  }
0x60: {  	(xrf0) =	vadd.scan.msk.s32 $0xffff, v5;
	_ =	sdelay $0x2  }
0x61: {  	v5 =	vmov s31  }
0x62: {  	v5 =	vadd.s32 $0xFFFFFFFF, v5  }
0x63: {  	v5 =	vbroadcast v5, $0x0  }
0x64: {  	v6, _, _ =	vpop (xrf0)  }
0x65: {  	v7 =	vld [tilespmem:s8+$0x15400];
	v5 =	vadd.s32 v6, v5;
	(v2sf) =	vpush v6, $0xF;
	_ =	sdelay $0x4  }
0x66: {  	[tilespmem:v5+s20+$0x0] =	vst.idx.msk vm0, v7  }
0x67: {  	s4 =	simm.s32 $0x80;
	s0 =	simm.s32 $0x10;
	[tilespmem:v5+s21+$0x0] =	vst.idx.msk vm0, v4  }
.LBB2_5:
0x68: {  	p1 =	sne.s32 s4, $0x600;
	v4 =	vld [tilespmem:s0+$0x15590];
	_ =	sdelay $0x4  }
0x69: {  	v4 =	vsub.s32 v4, v0  }
0x6a: {  	vm0 =	vlt.u32 v4, $0x1388  }
0x6b: {  	v5 =	vsel vm0, $0x1, v2  }
0x6c: {  	(xrf0) =	vadd.scan.msk.s32 $0xffff, v5;
	s8 =	spop (v2sf)  }
0x6d: {  	s31 =	sadd.s32 s31, s8  }
0x6e: {  	v5 =	vmov s31  }
0x6f: {  	v5 =	vadd.s32 $0xFFFFFFFF, v5  }
0x70: {  	v5 =	vbroadcast v5, $0x0;
	_ =	sdelay $0x1  }
0x71: {  	v6, _, _ =	vpop (xrf0)  }
0x72: {  	v7 =	vld [tilespmem:s0+$0x15400];
	v5 =	vadd.s32 v6, v5;
	(v2sf) =	vpush v6, $0xF;
	_ =	sdelay $0x1  }
.Ltmp3:
0x73: {  	(pc) =	sbr.rel @p1 .LBB2_5-.Ltmp3, $3  }
0x74: {  	_ =	sdelay $0x1  }
0x75: {  	[tilespmem:v5+s20+$0x0] =	vst.idx.msk vm0, v7  }
0x76: {  	s0 =	sshra.s32 s4, $0x2;
	s4 =	sadd.s32 $0x40, s4;
	[tilespmem:v5+s21+$0x0] =	vst.idx.msk vm0, v4  }
0x77: {  	v4 =	vld [tilespmem:s0+$0x15590];
	_ =	sdelay $0x4  }
0x78: {  	v4 =	vsub.s32 v4, v0  }
0x79: {  	vm0 =	vlt.u32 v4, $0x1388  }
0x7a: {  	v5 =	vsel vm0, $0x1, v2  }
0x7b: {  	(xrf0) =	vadd.scan.msk.s32 $0xffff, v5;
	_ =	sdelay $0x5  }
0x7c: {  	v5, _, _ =	vpop (xrf0)  }
0x7d: {  	(v2sf) =	vpush v5, $0xF;
	_ =	sdelay $0x3  }
0x7e: {  	s4 =	spop (v2sf)  }
0x7f: {  	s4 =	sadd.s32 s31, s4  }
0x80: {  	v6 =	vmov s4  }
0x81: {  	v6 =	vadd.s32 $0xFFFFFFFF, v6  }
0x82: {  	v6 =	vbroadcast v6, $0x0;
	_ =	sdelay $0x1  }
0x83: {  	v7 =	vld [tilespmem:s0+$0x15400];
	s30 =	sadd.s32 $0x1, s30;
	v5 =	vadd.s32 v5, v6  }
0x84: {  	p1 =	sne.s32 s30, $0x19  }
.Ltmp4:
0x85: {  	_ = 	snop;
	(pc) =	sbr.rel @p1 .LBB2_4-.Ltmp4, $3  }
0x86: {  	_ =	sdelay $0x1  }
0x87: {  	[tilespmem:v5+s20+$0x0] =	vst.idx.msk vm0, v7;
	s8 =	spop (v2sf)  }
0x88: {  	[tilespmem:v5+s21+$0x0] =	vst.idx.msk vm0, v4;
	s31 =	sadd.s32 s4, s8  }
0x89: {  	s0 =	sadd.s32 $0x1F, s31  }
0x8a: {  	s4 =	sand.u32 $0x1F, s0  }
0x8b: {  	s8 =	sshra.s32 s0, $0x1F;
	p1 =	slt.s32 s0, $0x1;
	p2 =	sne.s32 s4, $0x0  }
0x8c: {  	s31 =	sshrl.u32 s8, $0x1B;
	p1 =	por !p1, !p2  }
0x8d: {  	s4 =	simm.s32 $0x1;
	s0 =	sadd.s32 s31, s0;
	p1 =	por !p1, !p1  }
0x8e: {  	s0 =	sshra.s32 s0, $0x5;
	s4 =	simm.s32 @!p1 $0x0  }
0x8f: {  	s29 =	ssub.s32 s0, s4  }
0x90: {  	p1 =	slt.s32 s29, $0x1  }
.Ltmp5:
0x91: {  	_ = 	snop;
	(pc) =	sbr.rel @p1 .LBB2_11-.Ltmp5, $2  }
0x92: {  	_ =	sdelay $0x1  }
0x93: {  	[bflag:$0x0] =	sbarrier.arrive $0xFFFF;
	_ =	sdelay $0x1  }
0x94: {  	s0 =	simm.s32 $0x15720  }
0x95: {  	[tilespmem:s26], [sflag:$0x1] =	stream.indirect.gather [hbm4b:s1+s23], $0x100, s0, s23, $0xb8;
	[tilespmem:$0x1C920] =	vst v63  }
0x96: {  	_ =	swait.ge [sflag:s22], $0x2000  }
0x97: {  	[sflag:s22] =	ssyncset.done $0x0  }
0x98: {  	s4 =	simm.s32 $0x17F20;
	[sflag:s22] =	ssyncadd.s32 $0xFFFFE000  }
0x99: {  	[spmem:s2] =	stream.indirect.scatter.add.f32 [tilespmem:s26], [sflag:$0x2], $0x100, s4, s23, $0xb8;
	[tilespmem:$0x1C920] =	vst v63  }
0x9a: {  	p1 =	sne.s32 s29, $0x1;
	_ =	swait.ge [sflag:s16], $0x2000  }
.Ltmp6:
0x9b: {  	[sflag:s16] =	ssyncset.done $0x0;
	(pc) =	sbr.rel @!p1 .LBB2_10-.Ltmp6, $4  }
0x9c: {  	[sflag:s16] =	ssyncadd.s32 $0xFFFFE000  }
0x9d: {  	[spmem:s3] =	stream.indirect.scatter.add.f32 [tilespmem:s28], [sflag:$0x2], $0x10, s4, s23, $0xb8;
	[tilespmem:$0x1C920] =	vst v63  }
0x9e: {  	_ =	swait.ge [sflag:s16], $0x200  }
0x9f: {  	s29 =	sadd.s32 $0xFFFFFFFF, s29;
	[sflag:s16] =	ssyncset.done $0x0  }
.LBB2_9:
0xa0: {  	[sflag:s16] =	ssyncadd.s32 $0xFFFFFE00;
	s0 =	sadd.s32 $0x20, s0;
	s4 =	sadd.s32 $0x20, s4  }
0xa1: {  	[tilespmem:s26], [sflag:$0x1] =	stream.indirect.gather [hbm4b:s1+s23], $0x100, s0, s23, $0xb8;
	[tilespmem:$0x1C920] =	vst v63  }
0xa2: {  	p1 =	sne.s32 s29, $0x1;
	s29 =	sadd.s32 $0xFFFFFFFF, s29;
	_ =	swait.ge [sflag:s22], $0x2000  }
0xa3: {  	[sflag:s22] =	ssyncset.done $0x0  }
0xa4: {  	[sflag:s22] =	ssyncadd.s32 $0xFFFFE000  }
0xa5: {  	[spmem:s2] =	stream.indirect.scatter.add.f32 [tilespmem:s26], [sflag:$0x2], $0x100, s4, s23, $0xb8;
	[tilespmem:$0x1C920] =	vst v63  }
0xa6: {  	_ =	swait.ge [sflag:s16], $0x2000  }
.Ltmp7:
0xa7: {  	[sflag:s16] =	ssyncset.done $0x0;
	(pc) =	sbr.rel @p1 .LBB2_9-.Ltmp7, $4  }
0xa8: {  	[sflag:s16] =	ssyncadd.s32 $0xFFFFE000  }
0xa9: {  	[spmem:s3] =	stream.indirect.scatter.add.f32 [tilespmem:s28], [sflag:$0x2], $0x10, s4, s23, $0xb8;
	[tilespmem:$0x1C920] =	vst v63  }
0xaa: {  	_ =	swait.ge [sflag:s16], $0x200  }
0xab: {  	[sflag:s16] =	ssyncset.done $0x0  }
.Ltmp8:
0xac: {  	_ = 	snop;
	(pc) =	sbr.rel .LBB2_10-.Ltmp8, $1  }
0xad: {  	_ =	sdelay $0x3  }
.LBB2_12:
0xae: {  	_ =	sfence.sel $0x180000  }
0xaf: {  	[bflag:$0x0] =	sbarrier.arrive $0xFFFF  }
0xb0: {  	_ =	strace $0x90000047  }
0xb1: {  	s0 =	stileid.u32;
	[bflag:$0x2] =	sbarrier.arrive $0xFFFF  }
0xb2: {  	p0 =	sne.s32 s0, $0x0;
	s0 =	rddreg [dreg:$0x4]  }
0xb3: {  	s0 =	sadd.s32 @!p0 $0x100000, s0  }
0xb4: {  	[sflag:s0] =	ssyncadd.tile.s32 @!p0 $0x1;
	_ =	shalt  }
.Lfunc_end2:
_tile_overlayer_lowered:
.L_overlay_start_2:
0xb5: {  	(tag) =	ssettag $0x2  }
0xb6: {  	s0 =	rddreg [dreg:$0x0];
	s2 =	stileid.u32  }
0xb7: {  	s1 =	rddreg [dreg:$0x1];
	p0 =	sne.s32 s2, $0x0  }
0xb8: {  	s3 =	rddreg [dreg:$0x2];
	[bflag:$0x3] =	sbarrier.arrive $0xFFFF;
	s2 =	simm.s32 @!p0 $0x1C02  }
0xb9: {  	[timem:s3], [sflag:s2] =	dma.local @!p0 [hbm:s0], s1  }
0xba: {  	s0 =	simm.s32 @!p0 $0x2  }
0xbb: {  	_ =	swait.ge @!p0 [sflag:s0], s1  }
0xbc: {  	s1 =	ssub.s32 @!p0 $0x0, s1;
	[sflag:s0] =	ssyncset.done @!p0 $0x0  }
0xbd: {  	[sflag:s0] =	ssyncadd.s32 @!p0 s1  }
0xbe: {  	[bflag:$0x3] =	sbarrier.arrive $0xFFFF  }
0xbf: {  	_ =	shalt  }

// kernel: kernel.9.cloned.1.call-start
scs
__scs_entry_jumppad:
0x0: {  	(pc) =	sbr.rel $0x88, $3  }
0x1: {  	(tag) =	ssettag $0x0;
	lr =	simm.s32 $0x1  }
0x2: {  	[smem:$0x3F99] =	sst lr;
	_ =	strace $0xD0000000  }
0x3: {  	_ = 	snop  }
0x4: {  	_ = 	snop  }
0x5: {  	_ = 	snop  }
0x6: {  	_ = 	snop  }
0x7: {  	_ = 	snop  }
__scs_overlays_trampoline_lowered:
0x8: {  	[smem:$0x3FA8] =	sst s0  }
0x9: {  	[smem:$0x3FA9] =	sst s1  }
0xa: {  	[smem:$0x3FAA] =	sst s2  }
0xb: {  	[smem:$0x3FAB] =	sst s3  }
0xc: {  	[smem:$0x3FAC] =	sst s4  }
0xd: {  	[smem:$0x3FAD] =	sst s5  }
0xe: {  	[smem:$0x3FAE] =	sst s6  }
0xf: {  	[smem:$0x3FAF] =	sst s7  }
0x10: {  	[smem:$0x3FB0] =	sst s8  }
0x11: {  	[smem:$0x3FB1] =	sst s9;
	s0 =	simm.s32 @!p0 $0x0  }
0x12: {  	s1 =	sld [smem:$0x3F97];
	s0 =	simm.s32 @p0 $0x1  }
0x13: {  	[smem:$0x3FB2] =	sst s0;
	s0 =	simm.s32 @!p1 $0x0  }
0x14: {  	s2 =	sld [smem:$0x3F96];
	s0 =	simm.s32 @p1 $0x1  }
0x15: {  	[smem:$0x3FB3] =	sst s0;
	s0 =	simm.s32 @!p2 $0x0  }
0x16: {  	s3 =	sld [smem:$0x3FDB];
	s0 =	simm.s32 @p2 $0x1  }
0x17: {  	s4 =	simm.s32 $0x1BF5;
	[smem:$0x3FB5] =	sst s0  }
0x18: {  	s0 =	sld [smem:$0x3F98];
	_ =	swait.ge [sflag:s4], $0x0  }
0x19: {  	s7 =	sld [smem:$0x3F99]  }
0x1a: {  	s8 =	sadd.s32 $0xFFFFE003, lr  }
0x1b: {  	s9 =	sadd.s32 $0xFFFFFEF7, lr;
	s5 =	simm.s32 $0xFFFFFFFF;
	p2 =	slt.u32 s8, $0xFFFFF086  }
0x1c: {  	p1 =	slt.u32 s9, $0xF7A;
	s5 =	simm.s32 @!p2 $0x0  }
0x1d: {  	s5 =	simm.s32 @p1 $0x1;
	p0 =	seq.s32 s7, s2  }
0x1e: {  	s7 =	smul.u32 @!p0 $0xF7A, s2;
	p2 =	seq.s32 @!p0 s5, $0x0  }
0x1f: {  	s9 =	smul.u32 $0xF7A, s1;
	s8 =	simm.s32 @!p0 $0x1BF5;
	p2 =	por !p2, p0  }
0x20: {  	[sflag:s8] =	ssyncset.s32 @!p0 $0xFFFFF086;
	s6 =	sadd.s32 @!p0 s3, s7;
	s7 =	simm.s32 @!p0 $0x108  }
0x21: {  	s3 =	sadd.s32 s3, s9;
	s6 =	sadd.s32 @!p0 $0x88, s6;
	s7 =	simm.s32 @p2 $0x1082  }
0x22: {  	[simem:s7], [sflag:s8] =	dma.local @!p0 [hbm:s6], $0xF7A  }
0x23: {  	s9 =	sor.u32 $0xD0000000, s2;
	s6 =	simm.s32 $0x108;
	_ =	swait.ge @!p0 [sflag:s8], $0x0  }
0x24: {  	s3 =	sadd.s32 $0x88, s3;
	s6 =	simm.s32 @!p1 $0x1082;
	[sflag:s4] =	ssyncset.s32 $0xFFFFF086  }
0x25: {  	[simem:s6], [sflag:s4] =	dma.local [hbm:s3], $0xF7A  }
0x26: {  	[smem:$0x3F99] =	sst s1;
	(tag) =	ssettag s2;
	_ =	strace s9  }
0x27: {  	s1 =	sld [smem:$0x3FA9]  }
0x28: {  	s2 =	sld [smem:$0x3FAA]  }
0x29: {  	s4 =	sld [smem:$0x3FAC]  }
0x2a: {  	p0 =	seq.s32 s5, $0x0;
	s5 =	sld [smem:$0x3FAD]  }
0x2b: {  	s6 =	sld [smem:$0x3FAE]  }
0x2c: {  	s7 =	sld [smem:$0x3FAF]  }
0x2d: {  	s3 =	simm.s32 $0x108;
	s8 =	sld [smem:$0x3FB0]  }
0x2e: {  	s3 =	simm.s32 @!p0 $0x1082;
	s9 =	sld [smem:$0x3FB1]  }
0x2f: {  	lr =	sadd.s32 s0, s3;
	s0 =	sld [smem:$0x3FA8]  }
0x30: {  	s3 =	sld [smem:$0x3FAB]  }
0x31: {  	[smem:$0x3FB4] =	sst s10  }
0x32: {  	s10 =	sld [smem:$0x3FB2];
	_ =	sdelay $0x3  }
0x33: {  	p0 =	seq.s32 s10, $0x1;
	s10 =	sld [smem:$0x3FB4];
	_ =	sdelay $0x3  }
0x34: {  	[smem:$0x3FB4] =	sst s10  }
0x35: {  	s10 =	sld [smem:$0x3FB3];
	_ =	sdelay $0x3  }
0x36: {  	p1 =	seq.s32 s10, $0x1;
	s10 =	sld [smem:$0x3FB4];
	_ =	sdelay $0x3  }
0x37: {  	[smem:$0x3FB4] =	sst s10  }
0x38: {  	s10 =	sld [smem:$0x3FB5]  }
0x39: {  	_ = 	snop;
	(pc) =	sbr.ind lr, $3  }
0x3a: {  	_ = 	snop  }
0x3b: {  	_ = 	snop  }
0x3c: {  	p2 =	seq.s32 s10, $0x1;
	s10 =	sld [smem:$0x3FB4]  }
0x3d: {  	_ =	shalt  }
0x3e: {  	_ =	shalt  }
0x3f: {  	_ =	shalt  }
0x40: {  	_ =	shalt  }
0x41: {  	_ =	shalt  }
0x42: {  	_ =	shalt  }
0x43: {  	_ =	shalt  }
0x44: {  	_ =	shalt  }
0x45: {  	_ =	shalt  }
0x46: {  	_ =	shalt  }
0x47: {  	_ =	shalt  }
0x48: {  	_ =	shalt  }
0x49: {  	_ =	shalt  }
0x4a: {  	_ =	shalt  }
0x4b: {  	_ =	shalt  }
0x4c: {  	_ =	shalt  }
0x4d: {  	_ =	shalt  }
0x4e: {  	_ =	shalt  }
0x4f: {  	_ =	shalt  }
0x50: {  	_ =	shalt  }
0x51: {  	_ =	shalt  }
0x52: {  	_ =	shalt  }
0x53: {  	_ =	shalt  }
0x54: {  	_ =	shalt  }
0x55: {  	_ =	shalt  }
0x56: {  	_ =	shalt  }
0x57: {  	_ =	shalt  }
0x58: {  	_ =	shalt  }
0x59: {  	_ =	shalt  }
0x5a: {  	_ =	shalt  }
0x5b: {  	_ =	shalt  }
0x5c: {  	_ =	shalt  }
0x5d: {  	_ =	shalt  }
0x5e: {  	_ =	shalt  }
0x5f: {  	_ =	shalt  }
0x60: {  	_ =	shalt  }
0x61: {  	_ =	shalt  }
0x62: {  	_ =	shalt  }
0x63: {  	_ =	shalt  }
0x64: {  	_ =	shalt  }
0x65: {  	_ =	shalt  }
0x66: {  	_ =	shalt  }
0x67: {  	_ =	shalt  }
0x68: {  	_ =	shalt  }
0x69: {  	_ =	shalt  }
0x6a: {  	_ =	shalt  }
0x6b: {  	_ =	shalt  }
0x6c: {  	_ =	shalt  }
0x6d: {  	_ =	shalt  }
0x6e: {  	_ =	shalt  }
0x6f: {  	_ =	shalt  }
0x70: {  	_ =	shalt  }
0x71: {  	_ =	shalt  }
0x72: {  	_ =	shalt  }
0x73: {  	_ =	shalt  }
0x74: {  	_ =	shalt  }
0x75: {  	_ =	shalt  }
0x76: {  	_ =	shalt  }
0x77: {  	_ =	shalt  }
0x78: {  	_ =	shalt  }
0x79: {  	_ =	shalt  }
0x7a: {  	_ =	shalt  }
0x7b: {  	_ =	shalt  }
0x7c: {  	_ =	shalt  }
0x7d: {  	_ =	shalt  }
0x7e: {  	_ =	shalt  }
0x7f: {  	_ =	shalt  }
0x80: {  	_ =	shalt  }
0x81: {  	_ =	shalt  }
0x82: {  	_ =	shalt  }
0x83: {  	_ =	shalt  }
0x84: {  	_ =	shalt  }
0x85: {  	_ =	shalt  }
0x86: {  	_ =	shalt  }
0x87: {  	_ =	shalt  }
.Lfunc_end0:
.L_simem_size_0:
called_computation.1_lowered:
.L_overlay_start_0:
0x88: {  	s2 =	sld [smem:$0x3FD9]  }
0x89: {  	s3 =	sld [smem:$0x3FFE];
	_ =	sdelay $0x1  }
0x8a: {  	s1 =	srdreg.scid  }
0x8b: {  	s0 =	sand.u32 $0x1, s1  }
0x8c: {  	s17 =	sshll.u32 s0, $0xA;
	s2 =	sadd.s32 s3, s2  }
0x8d: {  	s2 =	sadd.s32 s2, s17  }
0x8e: {  	[smem:$0x3FC0] =	sst s2  }
0x8f: {  	_ = 	snop  }
0x90: {  	s2 =	sld [smem:$0x3FD0];
	(tm) =	ssettm $0x1  }
0x91: {  	s18 =	sld [smem:$0x3FFB];
	_ =	sdelay $0x3  }
0x92: {  	_ =	strace s18  }
0x93: {  	s3 =	sld [smem:$0x3FFC];
	_ =	sdelay $0x3  }
0x94: {  	_ =	strace s3  }
0x95: {  	s3 =	sld [smem:$0x3FFD];
	_ =	sdelay $0x3  }
0x96: {  	_ =	strace s3  }
0x97: {  	_ =	strace $0x8FFFFFFF  }
0x98: {  	s19 =	sld [smem:$0x3FDB];
	_ =	sdelay $0x1  }
0x99: {  	s4 =	simm.s32 $_scs_section_size  }
0x9a: {  	s5 =	simm.s32 $_size__tile_overlayer_lowered;
	s6 =	simm.s32 $_tile_overlayer_lowered  }
0x9b: {  	s22 =	simm.s32 $0x1BFF;
	s21 =	sshll.u32 s6, $0x1;
	s3 =	sadd.s32 s4, s19  }
0x9c: {  	s7 =	simm.s32 $0x0;
	s20 =	sshll.u32 s5, $0x1;
	s5 =	sadd.s32 s21, s3  }
0x9d: {  	[timem:s7], [sflag:s22] =	dma.local [hbm:s5], s20  }
0x9e: {  	_ =	swait.ge [sflag:s22], s20  }
0x9f: {  	s4 =	ssub.s32 $0x0, s20;
	[sflag:s22] =	ssyncset.done $0x0  }
0xa0: {  	[sflag:s22] =	ssyncadd.s32 s4;
	_ =	sdelay $0x1  }
0xa1: {  	s23 =	simm.s32 $0x1B8B  }
0xa2: {  	_ =	swait.ge [sflag:s23], $0x1  }
0xa3: {  	[sflag:s23] =	ssyncset.done $0x0  }
0xa4: {  	s25 =	simm.s32 $0x1B8E;
	s24 =	sld [smem:$0x3FFE];
	[sflag:s23] =	ssyncadd.s32 $0xFFFFFFFF  }
0xa5: {  	s26 =	simm.s32 $execute0_lowered;
	[smem:$0x3FD2] =	sst s25  }
0xa6: {  	s5 =	sshll.u32 s26, $0x1;
	_ =	strace $0x80000049;
	[dreg:$0x1] =	wrdreg $0xFFFFFFFF  }
0xa7: {  	s28 =	simm.s32 $_size_execute0_lowered;
	s3 =	sadd.s32 s3, s5;
	[dreg:$0x0] =	wrdreg $0x0  }
0xa8: {  	s5 =	sshll.u32 s28, $0x1;
	[dreg:$0x2] =	wrdreg s3  }
0xa9: {  	[dreg:$0x3] =	wrdreg s5  }
0xaa: {  	[dreg:$0x4] =	wrdreg $0xC0  }
0xab: {  	_ =	task [dreg:s7], $0x5FFFF  }
0xac: {  	[dreg:$0x1] =	wrdreg $0xFFFFFFFF  }
0xad: {  	[dreg:$0x0] =	wrdreg $0x60  }
0xae: {  	[dreg:$0x2] =	wrdreg s2  }
0xaf: {  	[dreg:$0x3] =	wrdreg s24  }
0xb0: {  	[dreg:$0x4] =	wrdreg $0x0  }
0xb1: {  	[dreg:$0x5] =	wrdreg $0x9  }
0xb2: {  	_ =	task.clear_ibuf [dreg:s7], $0x6FFFF;
	_ =	strace $0x90000049  }
0xb3: {  	s29 =	simm.s32 $0x9;
	_ =	strace $0x8000004B  }
0xb4: {  	_ =	swait.ge [sflag:s29], $0x1  }
0xb5: {  	[sflag:s29] =	ssyncadd.s32 $0xFFFFFFFF  }
0xb6: {  	_ =	strace $0x9000004B  }
0xb7: {  	_ =	sfence  }
0xb8: {  	s30 =	sld [smem:$0x0];
	_ =	sdelay $0x2  }
0xb9: {  	s31 =	sshll.u32 s1, $0xD;
	s1 =	sshrl.u32 s1, $0x2  }
0xba: {  	s3 =	sand.u32 $0x4000, s31;
	s1 =	sadd.s32 s1, s30  }
0xbb: {  	s0 =	sor.u32 s3, s0;
	s1 =	sshll.u32 s1, $0x11  }
0xbc: {  	s0 =	sor.u32 s1, s0  }
0xbd: {  	s0 =	sadd.s32 $0x8F2B, s0  }
0xbe: {  	[sflag:s0] =	ssyncadd.remote.s32 $0x1  }
0xbf: {  	_ =	sfence.sel $0xFFFF  }
0xc0: {  	[dreg:$0x0] =	wrdreg $0xFFFFFFFF;
	(pc) =	sbr.abs _section_cstart, $3  }
0xc1: {  	[dreg:$0x1] =	wrdreg $0xFFFFFFFF  }
0xc2: {  	_ =	task.clear_ibuf [dreg:s7], $0x2FFFF;
	_ =	strace $0x9FFFFFFF  }
0xc3: {  	(tm) =	ssettm $0x7FFFFFFF  }
tec
execute0_lowered:
.L_overlay_start_1:
0x0: {  	(tag) =	ssettag $0x1  }
0x1: {  	s1 =	rddreg [dreg:$0x0]  }
0x2: {  	s8 =	rddreg [dreg:$0x1]  }
0x3: {  	s2 =	rddreg [dreg:$0x2]  }
0x4: {  	s3 =	srdreg.scid;
	s0 =	rddreg [dreg:$0x3]  }
0x5: {  	s4 =	simm.s32 $0x0;
	s15 =	simm.s32 $0x14190;
	s16 =	simm.s32 $0x14320  }
0x6: {  	s17 =	simm.s32 $0x16B20;
	s18 =	simm.s32 $0x1;
	s9 =	sand.u32 $0x1, s3  }
0x7: {  	s20 =	simm.s32 $0x19320;
	s3 =	stileid.u32;
	s19 =	smul.u32 $0x1388, s9  }
0x8: {  	[smem:$0x7FF] =	sst s4;
	s5 =	sadd.s32 $0x6200, s8;
	s10 =	smul.u32 $0x3E8, s3  }
0x9: {  	s6 =	sadd.s32 $0x1200, s8;
	s7 =	sadd.s32 $0xB200, s8;
	s11 =	smul.u32 $0x50000, s3  }
0xa: {  	_ =	strace $0x8000004A;
	s9 =	ssub.s32 $0x2, s9;
	s12 =	smul.u32 $0xFA000, s3  }
0xb: {  	s30 =	sshll.u32 s3, $0x6;
	p0 =	sgt.u32 s3, $0x4;
	s28 =	sshrl.u32 s9, $0x1  }
0xc: {  	s10 =	sadd.s32 s10, s19;
	s13 =	ssub.s32 s9, s28;
	s9 =	smul.u32 $0x2710, s3  }
.Ltmp0:
0xd: {  	s29 =	sshrl.u32 s11, $0x2;
	s31 =	sshrl.u32 s12, $0x2;
	(pc) =	sbr.rel .LBB2_1-.Ltmp0, $4  }
0xe: {  	v0 =	vmov s19;
	s19 =	simm.s32 $0x20;
	s10 =	sshll.u32 s10, $0x5;
	s14 =	sadd.s32 s29, s2  }
0xf: {  	s21 =	sadd.s32 s31, s2;
	s11 =	smax.u32 s13, $0x1;
	s13 =	simm.s32 $0x2  }
0x10: {  	s10 =	sadd.s32 s10, s8;
	s8 =	sor.u32 $0x1C02, s30;
	s12 =	sshrl.u32 s14, $0x3  }
0x11: {  	v1 =	vimm.s32 $0x0;
	v2 =	vimm.s32 $0x1388;
	s14 =	simm.s32 $0x14000;
	s21 =	sshrl.u32 @!p0 s21, $0x3;
	s10 =	sadd.s32 $0x5C000, s10  }
.LBB2_10:
0x12: {  	[sflag:s13] =	ssyncadd.s32 $0xFFFFE000  }
.LBB2_11:
0x13: {  	s4 =	sadd.s32 $0x1, s4  }
0x14: {  	p1 =	sne.s32 s4, s11  }
.Ltmp1:
0x15: {  	[bflag:$0x0] =	sbarrier.arrive $0xFFFF;
	s22 =	simm.s32 @!p0 $0x2;
	(pc) =	sbr.rel @!p1 .LBB2_12-.Ltmp1, $4  }
0x16: {  	[hbm:s10], [sflag:s8] =	dma.local @!p0 [spmem:s21], $0x7D00  }
0x17: {  	_ =	swait.ge @!p0 [sflag:s22], $0x7D00  }
0x18: {  	[sflag:s22] =	ssyncset.done @!p0 $0x0  }
0x19: {  	[sflag:s22] =	ssyncadd.s32 @!p0 $0xFFFF8300  }
.LBB2_1:
0x1a: {  	[spmem:s12], [sflag:s8] =	dma.local [hbm:s7], $0x2800  }
0x1b: {  	_ =	swait.ge [sflag:s13], $0x2800  }
0x1c: {  	[sflag:s13] =	ssyncset.done $0x0  }
0x1d: {  	s22 =	simm.s32 $0x40;
	s23 =	simm.s32 $0x0;
	[sflag:s13] =	ssyncadd.s32 $0xFFFFD800  }
.LBB2_2:
0x1e: {  	p1 =	sne.s32 s22, $0x9FC0;
	[tilespmem:s23+$0x14320] =	vst v1;
	s24 =	smov.u32 s22;
	s22 =	sadd.s32 $0x40, s22  }
.Ltmp2:
0x1f: {  	[tilespmem:s23+$0x16B20] =	vst v2;
	(pc) =	sbr.rel @p1 .LBB2_2-.Ltmp2, $2  }
0x20: {  	_ =	sdelay $0x2  }
0x21: {  	s23 =	sshra.s32 s24, $0x2  }
0x22: {  	[tilespmem:s23+$0x14320] =	vst v1  }
0x23: {  	s22 =	simm.s32 $0x0;
	[tilespmem:s23+$0x16B20] =	vst v2;
	s24 =	simm.s32 $0x0;
	s23 =	simm.s32 $0x0  }
.LBB2_4:
0x24: {  	s25 =	smul.u32 $0x190, s23;
	_ =	sdelay $0x1  }
0x25: {  	s25 =	sadd.s32 s9, s25  }
0x26: {  	s25 =	sshrl.u32 s25, $0x3  }
0x27: {  	s26 =	sadd.s32 s5, s25  }
0x28: {  	[tilespmem:s14], [sflag:$0x2] =	stream.linear.gather [hbm4b:s26+s22], $0x190, $0x38;
	[tilespmem:$0x1B320] =	vst v63  }
0x29: {  	_ =	swait.ge [sflag:s13], $0x190  }
0x2a: {  	[sflag:s13] =	ssyncset.done $0x0  }
0x2b: {  	s25 =	sadd.s32 s6, s25;
	[sflag:s13] =	ssyncadd.s32 $0xFFFFFE70  }
0x2c: {  	[tilespmem:s15], [sflag:$0x2] =	stream.linear.gather [hbm4b:s25+s22], $0x190, $0x38;
	[tilespmem:$0x1B320] =	vst v63  }
0x2d: {  	_ =	swait.ge [sflag:s13], $0x190  }
0x2e: {  	[sflag:s13] =	ssyncset.done $0x0  }
0x2f: {  	s31 =	simm.s32 $0x0;
	[sflag:s13] =	ssyncadd.s32 $0xFFFFFE70  }
0x30: {  	v3 =	vld [tilespmem:s31+$0x14190];
	_ =	sdelay $0x4  }
0x31: {  	v3 =	vsub.s32 v3, v0  }
0x32: {  	vm0 =	vlt.u32 v3, $0x1388  }
0x33: {  	v4 =	vsel vm0, $0x1, v1  }
0x34: {  	(xrf0) =	vadd.scan.msk.s32 $0xffff, v4;
	_ =	sdelay $0x2  }
0x35: {  	v63 =	vmov s24  }
0x36: {  	v4 =	vadd.s32 $0xFFFFFFFF, v63  }
0x37: {  	v4 =	vbroadcast v4, $0x0  }
0x38: {  	v5, _, _ =	vpop (xrf0)  }
0x39: {  	v6 =	vld [tilespmem:s31+$0x14000];
	v4 =	vadd.s32 v5, v4;
	(v2sf) =	vpush v5, $0xF;
	_ =	sdelay $0x4  }
0x3a: {  	[tilespmem:v4+s16+$0x0] =	vst.idx.msk vm0, v6  }
0x3b: {  	s26 =	simm.s32 $0x80;
	s25 =	simm.s32 $0x10;
	[tilespmem:v4+s17+$0x0] =	vst.idx.msk vm0, v3  }
.LBB2_5:
0x3c: {  	p1 =	sne.s32 s26, $0x600;
	v3 =	vld [tilespmem:s25+$0x14190];
	_ =	sdelay $0x4  }
0x3d: {  	v3 =	vsub.s32 v3, v0  }
0x3e: {  	vm0 =	vlt.u32 v3, $0x1388  }
0x3f: {  	v4 =	vsel vm0, $0x1, v1  }
0x40: {  	(xrf0) =	vadd.scan.msk.s32 $0xffff, v4;
	s28 =	spop (v2sf)  }
0x41: {  	s24 =	sadd.s32 s24, s28  }
0x42: {  	v4 =	vmov s24  }
0x43: {  	v4 =	vadd.s32 $0xFFFFFFFF, v4  }
0x44: {  	v4 =	vbroadcast v4, $0x0;
	_ =	sdelay $0x1  }
0x45: {  	v5, _, _ =	vpop (xrf0)  }
0x46: {  	v6 =	vld [tilespmem:s25+$0x14000];
	v4 =	vadd.s32 v5, v4;
	(v2sf) =	vpush v5, $0xF;
	_ =	sdelay $0x1  }
.Ltmp3:
0x47: {  	(pc) =	sbr.rel @p1 .LBB2_5-.Ltmp3, $3  }
0x48: {  	_ =	sdelay $0x1  }
0x49: {  	[tilespmem:v4+s16+$0x0] =	vst.idx.msk vm0, v6  }
0x4a: {  	s25 =	sshra.s32 s26, $0x2;
	s26 =	sadd.s32 $0x40, s26;
	[tilespmem:v4+s17+$0x0] =	vst.idx.msk vm0, v3  }
0x4b: {  	v3 =	vld [tilespmem:s25+$0x14190];
	_ =	sdelay $0x4  }
0x4c: {  	v3 =	vsub.s32 v3, v0  }
0x4d: {  	vm0 =	vlt.u32 v3, $0x1388  }
0x4e: {  	v4 =	vsel vm0, $0x1, v1  }
0x4f: {  	(xrf0) =	vadd.scan.msk.s32 $0xffff, v4;
	_ =	sdelay $0x5  }
0x50: {  	v4, _, _ =	vpop (xrf0)  }
0x51: {  	(v2sf) =	vpush v4, $0xF;
	_ =	sdelay $0x3  }
0x52: {  	s26 =	spop (v2sf)  }
0x53: {  	s24 =	sadd.s32 s24, s26  }
0x54: {  	v5 =	vmov s24  }
0x55: {  	v5 =	vadd.s32 $0xFFFFFFFF, v5  }
0x56: {  	v5 =	vbroadcast v5, $0x0;
	_ =	sdelay $0x1  }
0x57: {  	v6 =	vld [tilespmem:s25+$0x14000];
	s23 =	sadd.s32 $0x1, s23;
	v4 =	vadd.s32 v4, v5  }
0x58: {  	p1 =	sne.s32 s23, $0x19  }
.Ltmp4:
0x59: {  	_ = 	snop;
	(pc) =	sbr.rel @p1 .LBB2_4-.Ltmp4, $3  }
0x5a: {  	_ =	sdelay $0x1  }
0x5b: {  	[tilespmem:v4+s16+$0x0] =	vst.idx.msk vm0, v6;
	s31 =	spop (v2sf)  }
0x5c: {  	[tilespmem:v4+s17+$0x0] =	vst.idx.msk vm0, v3;
	s24 =	sadd.s32 s24, s31  }
0x5d: {  	s22 =	sadd.s32 $0x1F, s24  }
0x5e: {  	s23 =	sand.u32 $0x1F, s22  }
0x5f: {  	s24 =	sshra.s32 s22, $0x1F;
	p1 =	slt.s32 s22, $0x1;
	p2 =	sne.s32 s23, $0x0  }
0x60: {  	s31 =	sshrl.u32 s24, $0x1B;
	p1 =	por !p1, !p2  }
0x61: {  	s23 =	simm.s32 $0x1;
	s22 =	sadd.s32 s31, s22;
	p1 =	por !p1, !p1  }
0x62: {  	s22 =	sshra.s32 s22, $0x5;
	s23 =	simm.s32 @!p1 $0x0  }
0x63: {  	s24 =	ssub.s32 s22, s23  }
0x64: {  	p1 =	slt.s32 s24, $0x1  }
.Ltmp5:
0x65: {  	_ = 	snop;
	(pc) =	sbr.rel @p1 .LBB2_11-.Ltmp5, $2  }
0x66: {  	_ =	sdelay $0x1  }
0x67: {  	[bflag:$0x0] =	sbarrier.arrive $0xFFFF;
	_ =	sdelay $0x1  }
0x68: {  	s22 =	simm.s32 $0x14320  }
0x69: {  	[tilespmem:s20], [sflag:$0x1] =	stream.indirect.gather [hbm4b:s1+s19], $0x100, s22, s19, $0xb8;
	[tilespmem:$0x1B320] =	vst v63  }
0x6a: {  	p1 =	sne.s32 s24, $0x1;
	_ =	swait.ge [sflag:s18], $0x2000  }
.Ltmp6:
0x6b: {  	[sflag:s18] =	ssyncset.done $0x0;
	(pc) =	sbr.rel @!p1 .LBB2_10-.Ltmp6, $4  }
0x6c: {  	s23 =	simm.s32 $0x16B20;
	[sflag:s18] =	ssyncadd.s32 $0xFFFFE000  }
0x6d: {  	[spmem:s2] =	stream.indirect.scatter.add.f32 [tilespmem:s20], [sflag:$0x2], $0x100, s23, s19, $0xb8;
	[tilespmem:$0x1B320] =	vst v63  }
0x6e: {  	_ =	swait.ge [sflag:s13], $0x2000  }
0x6f: {  	s24 =	sadd.s32 $0xFFFFFFFF, s24;
	[sflag:s13] =	ssyncset.done $0x0  }
.LBB2_9:
0x70: {  	[sflag:s13] =	ssyncadd.s32 $0xFFFFE000;
	s22 =	sadd.s32 $0x20, s22;
	s23 =	sadd.s32 $0x20, s23  }
0x71: {  	[tilespmem:s20], [sflag:$0x1] =	stream.indirect.gather [hbm4b:s1+s19], $0x100, s22, s19, $0xb8;
	[tilespmem:$0x1B320] =	vst v63  }
0x72: {  	p1 =	sne.s32 s24, $0x1;
	s24 =	sadd.s32 $0xFFFFFFFF, s24;
	_ =	swait.ge [sflag:s18], $0x2000  }
.Ltmp7:
0x73: {  	[sflag:s18] =	ssyncset.done $0x0;
	(pc) =	sbr.rel @p1 .LBB2_9-.Ltmp7, $4  }
0x74: {  	[sflag:s18] =	ssyncadd.s32 $0xFFFFE000  }
0x75: {  	[spmem:s2] =	stream.indirect.scatter.add.f32 [tilespmem:s20], [sflag:$0x2], $0x100, s23, s19, $0xb8;
	[tilespmem:$0x1B320] =	vst v63  }
0x76: {  	_ =	swait.ge [sflag:s13], $0x2000  }
0x77: {  	[sflag:s13] =	ssyncset.done $0x0  }
.Ltmp8:
0x78: {  	_ = 	snop;
	(pc) =	sbr.rel .LBB2_10-.Ltmp8, $1  }
0x79: {  	_ =	sdelay $0x3  }
.LBB2_12:
0x7a: {  	_ =	sfence.sel $0x180000  }
0x7b: {  	[bflag:$0x0] =	sbarrier.arrive $0xFFFF  }
0x7c: {  	p0 =	sne.s32 s3, $0x0;
	_ =	strace $0x9000004A  }
0x7d: {  	s0 =	sadd.s32 @!p0 $0x100000, s0;
	[bflag:$0x2] =	sbarrier.arrive $0xFFFF  }
0x7e: {  	[sflag:s0] =	ssyncadd.tile.s32 @!p0 $0x1;
	_ =	shalt  }
.Lfunc_end2:
_tile_overlayer_lowered:
.L_overlay_start_2:
0x7f: {  	(tag) =	ssettag $0x2  }
0x80: {  	s0 =	rddreg [dreg:$0x0];
	s2 =	stileid.u32  }
0x81: {  	s1 =	rddreg [dreg:$0x1];
	p0 =	sne.s32 s2, $0x0  }
0x82: {  	s3 =	rddreg [dreg:$0x2];
	[bflag:$0x3] =	sbarrier.arrive $0xFFFF;
	s2 =	simm.s32 @!p0 $0x1C02  }
0x83: {  	[timem:s3], [sflag:s2] =	dma.local @!p0 [hbm:s0], s1  }
0x84: {  	s0 =	simm.s32 @!p0 $0x2  }
0x85: {  	_ =	swait.ge @!p0 [sflag:s0], s1  }
0x86: {  	s1 =	ssub.s32 @!p0 $0x0, s1;
	[sflag:s0] =	ssyncset.done @!p0 $0x0  }
0x87: {  	[sflag:s0] =	ssyncadd.s32 @!p0 s1  }
0x88: {  	[bflag:$0x3] =	sbarrier.arrive $0xFFFF  }
0x89: {  	_ =	shalt  }

</sc_bundles>
